<compile_context>
chip_gen: v7x
topology: tpu7x:2x2x1
jax: 0.10.2.dev20260603
libtpu: 0.0.44.dev20260713+nightly
codegen_flags: <defaults>
</compile_context>

<pallas_src>
import functools

import jax
import jax.numpy as jnp
from jax import lax
from jax.experimental import pallas as pl
from jax.experimental.pallas import tpu as pltpu
from jax.experimental.pallas import tpu_sc as plsc

_B, _H, _W = 16, 512, 512
_N = _H * _W
_K = 4096
_C = 27.631021
_ROWS = _N // 128
_NC = 4
_RC = _ROWS // _NC

_HALF = _N // 2
_CHUNK = 16384
_NCHUNK = _HALF // _CHUNK
_HB = 16384



def _tc_body(ds_ref, gn_ref, tok_ref, t_ref, out_ref):
    b, c = pl.program_id(0), pl.program_id(1)
    w = (ds_ref[0] + gn_ref[0]).reshape(2 * _RC, 128)
    rowi = lax.broadcasted_iota(jnp.int32, (128, 256), 0)
    coli = lax.broadcasted_iota(jnp.int32, (128, 256), 1)
    dmat = ((coli == 2 * rowi).astype(jnp.float32)
            - (coli == 2 * rowi + 1).astype(jnp.float32))
    z = jnp.concatenate(
        [lax.dot_general(dmat, w[256 * q:256 * (q + 1), :],
                         (((1,), (0,)), ((), ())),
                         preferred_element_type=jnp.float32)
         for q in range(_RC // 128)], axis=0)
    sp = jnp.maximum(z, 0.0) + jnp.log1p(jnp.exp(-jnp.abs(z)))
    trow = (b // 8) * 16 + 2 * (b % 8)
    m = tok_ref[0] >= t_ref[trow, 0]
    corr = jnp.minimum(-z, _C)
    val = sp + jnp.where(m, corr, 0.0)
    s = jnp.sum(val).reshape(1, 1)
    first = (b == 0) & (c == 0)

    @pl.when(first)
    def _():
        out_ref[...] = s

    @pl.when(jnp.logical_not(first))
    def _():
        out_ref[...] += s



def _sc_body(tok_hbm, out_hbm, chunk_a, chunk_b, hist, accv, shared, sem):
    c = lax.axis_index("c")
    s = lax.axis_index("s")
    batch = c * 8 + s // 2
    half = s % 2
    base = batch * _N + half * _HALF

    zeros16 = jnp.zeros((16,), jnp.int32)
    ones16 = jnp.ones((16,), jnp.int32)

    @plsc.parallel_loop(0, _HB // 16, unroll=8)
    def _zero(i):
        hist[pl.ds(i * 16, 16)] = zeros16

    bufs = (chunk_a, chunk_b)
    cp0 = pltpu.async_copy(tok_hbm.at[pl.ds(base, _CHUNK)], chunk_a, sem)
    for i in range(_NCHUNK):
        if i + 1 < _NCHUNK:
            cp1 = pltpu.async_copy(
                tok_hbm.at[pl.ds(base + (i + 1) * _CHUNK, _CHUNK)],
                bufs[(i + 1) % 2], sem)
        cp0.wait()
        cbuf = bufs[i % 2]

        @plsc.parallel_loop(0, _CHUNK // 16, unroll=8)
        def _h(j):
            bits = cbuf[pl.ds(j * 16, 16)]
            bucket = jnp.right_shift(bits, 16)
            plsc.addupdate_scatter(hist, [bucket], ones16)

        if i + 1 < _NCHUNK:
            cp0 = cp1

    pltpu.sync_copy(hist, shared.at[s])
    plsc.subcore_barrier()
    pltpu.sync_copy(shared.at[s ^ 1], chunk_a)
    partner = chunk_a

    @plsc.parallel_loop(0, _HB // 16, unroll=8)
    def _merge(i):
        off = i * 16
        hist[pl.ds(off, 16)] = hist[pl.ds(off, 16)] + partner[pl.ds(off, 16)]

    def _cond(st):
        k, running, done, tb = st
        return jnp.logical_and(k < _HB // 16, jnp.logical_not(done))

    def _scan(st):
        k, running, done, tb = st
        i = _HB // 16 - 1 - k
        v = hist[pl.ds(i * 16, 16)]
        rv = lax.rev(v, (0,))
        cnt_ge = running + lax.rev(jnp.cumsum(rv), (0,))
        nfound = jnp.sum((cnt_ge >= _K).astype(jnp.int32))
        sv = jnp.sum(v)
        crossed = jnp.logical_and(jnp.logical_not(done), (running + sv) >= _K)
        tb_new = jnp.where(crossed, i * 16 + nfound - 1, tb)
        return (k + 1, running + sv, jnp.logical_or(done, crossed), tb_new)

    _, _, _, t_bucket = lax.while_loop(
        _cond, _scan,
        (jnp.int32(0), jnp.int32(0), jnp.bool_(False), jnp.int32(0)))

    tval = lax.bitcast_convert_type(
        jnp.full((16,), 65536, jnp.int32) * t_bucket, jnp.float32)
    accv[...] = tval
    pltpu.sync_copy(accv, out_hbm.at[c * 16 + s])


@functools.partial(
    pl.kernel,
    out_type=jax.ShapeDtypeStruct((32, 16), jnp.float32),
    mesh=plsc.VectorSubcoreMesh(core_axis_name="c", subcore_axis_name="s"),
    scratch_types=[
        pltpu.VMEM((_CHUNK,), jnp.int32),
        pltpu.VMEM((_CHUNK,), jnp.int32),
        pltpu.VMEM((_HB,), jnp.int32),
        pltpu.VMEM((16,), jnp.float32),
        pltpu.VMEM_SHARED((16, _HB), jnp.int32),
        pltpu.SemaphoreType.DMA,
    ],
    compiler_params=pltpu.CompilerParams(needs_layout_passes=False),
)
def _sc_kernel(tok_hbm, out_hbm, *scratch):
    _sc_body(tok_hbm, out_hbm, *scratch)


def kernel(decision_scores, s_map, gumbel_noise):
    tok_bits = (lax.bitcast_convert_type(s_map, jnp.int32)
                .reshape(_B, 1, _H // 8, 8, _W // 128, 128)
                .transpose(0, 1, 2, 4, 3, 5)
                .reshape(_B * _N))
    thr_all = _sc_kernel(tok_bits)

    ds4 = decision_scores.reshape(_B, _ROWS, 128, 2).transpose(0, 1, 3, 2)
    gn4 = gumbel_noise.reshape(_B, _ROWS, 128, 2).transpose(0, 1, 3, 2)
    tok3 = s_map.reshape(_B, _ROWS, 128)
    total = pl.pallas_call(
        _tc_body,
        grid=(_B, _NC),
        in_specs=[
            pl.BlockSpec((1, _RC, 2, 128), lambda b, c: (b, c, 0, 0)),
            pl.BlockSpec((1, _RC, 2, 128), lambda b, c: (b, c, 0, 0)),
            pl.BlockSpec((1, _RC, 128), lambda b, c: (b, c, 0)),
            pl.BlockSpec(memory_space=pltpu.SMEM),
        ],
        out_specs=pl.BlockSpec((1, 1), lambda b, c: (0, 0)),
        out_shape=jax.ShapeDtypeStruct((1, 1), jnp.float32),
    )(ds4, gn4, tok3, thr_all)
    return total[0, 0]

# --- scband reference (transcript-rebuilt; emitter-appended) ---
"""Pipeline reference for scband-salient-pixels-bceloss-37598143710044 (READ-ONLY COPY).

The authoritative reference and input builder live on the scoring server;
editing this copy changes nothing except your own understanding.
"""

import jax, jax.numpy as jnp
import numpy as np

B, H, W = 16, 512, 512
N = H * W
POSITIVE_TRIALS = 4096


def setup_inputs(seed: int = 0) -> dict:
    key = jax.random.key(seed)
    k1, k2, k3 = jax.random.split(key, 3)
    decision_scores = jax.random.normal(k1, (B, N, 2), dtype=jnp.float32)
    s_map = jax.random.uniform(k2, (B, 1, H, W), dtype=jnp.float32)
    # Gumbel(0,1) noise materialized as an input so the reference is deterministic
    u = jax.random.uniform(k3, (B, N, 2), dtype=jnp.float32, minval=1e-6, maxval=1.0 - 1e-6)
    gumbel_noise = -jnp.log(-jnp.log(u))
    return {"decision_scores": decision_scores, "s_map": s_map, "gumbel_noise": gumbel_noise}


def reference(decision_scores, s_map, gumbel_noise):
    # Tokenizer: flatten the saliency map into per-pixel tokens [B, N, 1]
    tok = s_map.reshape(s_map.shape[0], -1, 1)
    # F.gumbel_softmax(decision_scores, hard=False), tau=1.0, then take channel 0
    y = jax.nn.softmax((decision_scores + gumbel_noise) / 1.0, axis=-1)
    soft_decisions = y[:, :, 0:1]
    # argsort descending along dim=1, take top positive_trials indices -> [B, K]
    _, salient_idx = jax.lax.top_k(tok[:, :, 0], POSITIVE_TRIALS)
    # trials: zeros_like(s_map tokens), scatter 1.0 at salient pixel indices
    trials = jnp.zeros((tok.shape[0], tok.shape[1]), dtype=tok.dtype)
    bidx = jnp.arange(tok.shape[0])[:, None]
    trials = trials.at[bidx, salient_idx].set(1.0)
    trials = trials[:, :, None]
    # BCELoss(reduction='sum') with clamping like torch
    p = jnp.clip(soft_decisions, 1e-12, 1.0 - 1e-12)
    loss = -(trials * jnp.log(p) + (1.0 - trials) * jnp.log(1.0 - p))
    return jnp.sum(loss)

if __name__ == "__main__":
    import jax
    _d = setup_inputs()
    print(jax.jit(kernel)(*tuple(_d.values())))

</pallas_src>

<mosaic_0001>
#map = affine_map<(d0, d1) -> (0)>
#map1 = affine_map<(d0, d1) -> (0, 0)>
module attributes {stable_mosaic.version = 14 : i64} {
  func.func @_sc_kernel(%arg0: i32, %arg1: i32, %arg2: memref<4194304xi32, #tpu.memory_space<hbm>>, %arg3: memref<32x16xf32, #tpu.memory_space<hbm>>, %arg4: memref<16384xi32, #tpu.memory_space<vmem>>, %arg5: memref<16384xi32, #tpu.memory_space<vmem>>, %arg6: memref<16384xi32, #tpu.memory_space<vmem>>, %arg7: memref<16xf32, #tpu.memory_space<vmem>>, %arg8: memref<16x16384xi32, #tpu.memory_space<vmem_shared>>, %arg9: memref<!tpu.dma_semaphore, #tpu.memory_space<semaphore_mem>>) attributes {dimension_semantics = [#tpu.dimension_semantics<core_parallel>, #tpu.dimension_semantics<subcore_parallel>], iteration_bounds = array<i64: 2, 16>, scalar_prefetch = 0 : i64, scratch_operands = 6 : i64, tpu.core_type = #tpu.core_type<sc_vector_subcore>, window_params = [{transform_indices = #map}, {transform_indices = #map1}]} {
    %mul3A = arith.constant 8 : i32
    %mul3A_0 = arith.muli %arg0, %mul3A : i32
    %jit3A = arith.constant 2 : i32
    %div3A = arith.divsi %arg1, %jit3A : i32
    %sign3A = arith.constant 0 : i32
    %sign3A_1 = arith.cmpi sgt, %arg1, %sign3A : i32
    %sign3A_2 = arith.extui %sign3A_1 : i1 to i32
    %sign3A_3 = arith.constant 0 : i32
    %sign3A_4 = arith.cmpi slt, %arg1, %sign3A_3 : i32
    %sign3A_5 = arith.extui %sign3A_4 : i1 to i32
    %sign3A_6 = arith.subi %sign3A_2, %sign3A_5 : i32
    %sign3A_7 = arith.constant 0 : i32
    %sign3A_8 = arith.cmpi sgt, %jit3A, %sign3A_7 : i32
    %sign3A_9 = arith.extui %sign3A_8 : i1 to i32
    %sign3A_10 = arith.constant 0 : i32
    %sign3A_11 = arith.cmpi slt, %jit3A, %sign3A_10 : i32
    %sign3A_12 = arith.extui %sign3A_11 : i1 to i32
    %sign3A_13 = arith.subi %sign3A_9, %sign3A_12 : i32
    %ne3A = arith.cmpi ne, %sign3A_6, %sign3A_13 : i32
    %rem3A = arith.remsi %arg1, %jit3A : i32
    %ne3A_14 = arith.constant 0 : i32
    %ne3A_15 = arith.cmpi ne, %rem3A, %ne3A_14 : i32
    %and3A = arith.andi %ne3A, %ne3A_15 : i1
    %sub3A = arith.constant 1 : i32
    %sub3A_16 = arith.subi %div3A, %sub3A : i32
    %select_n3A = arith.select %and3A, %sub3A_16, %div3A : i32
    %add3A = arith.addi %mul3A_0, %select_n3A : i32
    %jit3A_17 = arith.constant 2 : i32
    %eq3A = arith.constant 0 : i32
    %eq3A_18 = arith.cmpi eq, %jit3A_17, %eq3A : i32
    %jit3A_19 = arith.constant 1 : i32
    %select_n3A_20 = arith.select %eq3A_18, %jit3A_19, %jit3A_17 : i32
    %rem3A_21 = arith.remsi %arg1, %select_n3A_20 : i32
    %ne3A_22 = arith.constant 0 : i32
    %ne3A_23 = arith.cmpi ne, %rem3A_21, %ne3A_22 : i32
    %lt3A = arith.constant 0 : i32
    %lt3A_24 = arith.cmpi slt, %rem3A_21, %lt3A : i32
    %lt3A_25 = arith.constant 0 : i32
    %lt3A_26 = arith.cmpi slt, %select_n3A_20, %lt3A_25 : i32
    %ne3A_27 = arith.xori %lt3A_24, %lt3A_26 : i1
    %and3A_28 = arith.andi %ne3A_27, %ne3A_23 : i1
    %add3A_29 = arith.addi %rem3A_21, %select_n3A_20 : i32
    %select_n3A_30 = arith.select %and3A_28, %add3A_29, %rem3A_21 : i32
    %mul3A_31 = arith.constant 262144 : i32
    %mul3A_32 = arith.muli %add3A, %mul3A_31 : i32
    %mul3A_33 = arith.constant 131072 : i32
    %mul3A_34 = arith.muli %select_n3A_30, %mul3A_33 : i32
    %add3A_35 = arith.addi %mul3A_32, %mul3A_34 : i32
    %broadcast_in_dim3A = arith.constant 0 : i32
    %broadcast_in_dim3A_36 = vector.broadcast %broadcast_in_dim3A : i32 to vector<16xi32>
    %broadcast_in_dim3A_37 = arith.constant 1 : i32
    %broadcast_in_dim3A_38 = vector.broadcast %broadcast_in_dim3A_37 : i32 to vector<16xi32>
    %parallel_loop3A = arith.constant 0 : i32
    %parallel_loop3A_39 = arith.constant 1024 : i32
    %parallel_loop3A_40 = arith.constant 1 : i32
    scf.for %parallel_loop3A_125 = %parallel_loop3A to %parallel_loop3A_39 step %parallel_loop3A_40  : i32 {
      %parallel_loop3A_126 = arith.constant 16 : i32
      %parallel_loop3A_127 = arith.muli %parallel_loop3A_125, %parallel_loop3A_126 : i32
      %parallel_loop3A_128 = arith.index_cast %parallel_loop3A_127 : i32 to index
      %parallel_loop3A_129 = tpu.vector_load %arg6[%parallel_loop3A_128] {strides = array<i32>} : memref<16384xi32, #tpu.memory_space<vmem>>, vector<16xi32>,
      tpu.vector_store %arg6[%parallel_loop3A_128], %broadcast_in_dim3A_36 {strides = array<i32>} : memref<16384xi32, #tpu.memory_space<vmem>>, vector<16xi32>,
    } {sc.loop_unroll_factor = 8 : i64, sc.parallel_access}
    %dma_start3A = tpu.memref_slice %arg2[%add3A_35] : memref<4194304xi32, #tpu.memory_space<hbm>> -> memref<16384xi32, #tpu.memory_space<hbm>>
    %dma_start3A_41 = tpu.memref_slice %arg2[%add3A_35] : memref<4194304xi32, #tpu.memory_space<hbm>> -> memref<16384xi32, #tpu.memory_space<hbm>>
    tpu.enqueue_dma source(%dma_start3A_41 : memref<16384xi32, #tpu.memory_space<hbm>>) target(%arg4 : memref<16384xi32, #tpu.memory_space<vmem>>) target_semaphore(%arg9 : memref<!tpu.dma_semaphore, #tpu.memory_space<semaphore_mem>>)
    %add3A_42 = arith.constant 16384 : i32
    %add3A_43 = arith.addi %add3A_35, %add3A_42 : i32
    %dma_start3A_44 = tpu.memref_slice %arg2[%add3A_43] : memref<4194304xi32, #tpu.memory_space<hbm>> -> memref<16384xi32, #tpu.memory_space<hbm>>
    %dma_start3A_45 = tpu.memref_slice %arg2[%add3A_43] : memref<4194304xi32, #tpu.memory_space<hbm>> -> memref<16384xi32, #tpu.memory_space<hbm>>
    tpu.enqueue_dma source(%dma_start3A_45 : memref<16384xi32, #tpu.memory_space<hbm>>) target(%arg5 : memref<16384xi32, #tpu.memory_space<vmem>>) target_semaphore(%arg9 : memref<!tpu.dma_semaphore, #tpu.memory_space<semaphore_mem>>)
    %dma_wait3A = tpu.memref_slice %arg2[%add3A_35] : memref<4194304xi32, #tpu.memory_space<hbm>> -> memref<16384xi32, #tpu.memory_space<hbm>>
    %dma_wait3A_46 = tpu.memref_slice %arg2[%add3A_35] : memref<4194304xi32, #tpu.memory_space<hbm>> -> memref<16384xi32, #tpu.memory_space<hbm>>
    tpu.wait_dma2 semaphore(%arg9 : memref<!tpu.dma_semaphore, #tpu.memory_space<semaphore_mem>>) src(%dma_wait3A_46 : memref<16384xi32, #tpu.memory_space<hbm>>) dst(%arg4 : memref<16384xi32, #tpu.memory_space<vmem>>)
    %parallel_loop3A_47 = arith.constant 0 : i32
    %parallel_loop3A_48 = arith.constant 1024 : i32
    %parallel_loop3A_49 = arith.constant 1 : i32
    scf.for %parallel_loop3A_125 = %parallel_loop3A_47 to %parallel_loop3A_48 step %parallel_loop3A_49  : i32 {
      %parallel_loop3A_126 = arith.constant 16 : i32
      %parallel_loop3A_127 = arith.muli %parallel_loop3A_125, %parallel_loop3A_126 : i32
      %parallel_loop3A_128 = arith.index_cast %parallel_loop3A_127 : i32 to index
      %parallel_loop3A_129 = tpu.vector_load %arg4[%parallel_loop3A_128] {strides = array<i32>} : memref<16384xi32, #tpu.memory_space<vmem>>, vector<16xi32>,
      %parallel_loop3A_130 = arith.constant 16 : i32
      %parallel_loop3A_131 = vector.broadcast %parallel_loop3A_130 : i32 to vector<16xi32>
      %parallel_loop3A_132 = arith.shrsi %parallel_loop3A_129, %parallel_loop3A_131 : vector<16xi32>
      tpu.vector_store_idx %arg6[%parallel_loop3A_132], %broadcast_in_dim3A_38 {add = true} : memref<16384xi32, #tpu.memory_space<vmem>>[vector<16xi32>], vector<16xi32>,
    } {sc.loop_unroll_factor = 8 : i64, sc.parallel_access}
    %add3A_50 = arith.constant 32768 : i32
    %add3A_51 = arith.addi %add3A_35, %add3A_50 : i32
    %dma_start3A_52 = tpu.memref_slice %arg2[%add3A_51] : memref<4194304xi32, #tpu.memory_space<hbm>> -> memref<16384xi32, #tpu.memory_space<hbm>>
    %dma_start3A_53 = tpu.memref_slice %arg2[%add3A_51] : memref<4194304xi32, #tpu.memory_space<hbm>> -> memref<16384xi32, #tpu.memory_space<hbm>>
    tpu.enqueue_dma source(%dma_start3A_53 : memref<16384xi32, #tpu.memory_space<hbm>>) target(%arg4 : memref<16384xi32, #tpu.memory_space<vmem>>) target_semaphore(%arg9 : memref<!tpu.dma_semaphore, #tpu.memory_space<semaphore_mem>>)
    %dma_wait3A_54 = tpu.memref_slice %arg2[%add3A_43] : memref<4194304xi32, #tpu.memory_space<hbm>> -> memref<16384xi32, #tpu.memory_space<hbm>>
    %dma_wait3A_55 = tpu.memref_slice %arg2[%add3A_43] : memref<4194304xi32, #tpu.memory_space<hbm>> -> memref<16384xi32, #tpu.memory_space<hbm>>
    tpu.wait_dma2 semaphore(%arg9 : memref<!tpu.dma_semaphore, #tpu.memory_space<semaphore_mem>>) src(%dma_wait3A_55 : memref<16384xi32, #tpu.memory_space<hbm>>) dst(%arg5 : memref<16384xi32, #tpu.memory_space<vmem>>)
    %parallel_loop3A_56 = arith.constant 0 : i32
    %parallel_loop3A_57 = arith.constant 1024 : i32
    %parallel_loop3A_58 = arith.constant 1 : i32
    scf.for %parallel_loop3A_125 = %parallel_loop3A_56 to %parallel_loop3A_57 step %parallel_loop3A_58  : i32 {
      %parallel_loop3A_126 = arith.constant 16 : i32
      %parallel_loop3A_127 = arith.muli %parallel_loop3A_125, %parallel_loop3A_126 : i32
      %parallel_loop3A_128 = arith.index_cast %parallel_loop3A_127 : i32 to index
      %parallel_loop3A_129 = tpu.vector_load %arg5[%parallel_loop3A_128] {strides = array<i32>} : memref<16384xi32, #tpu.memory_space<vmem>>, vector<16xi32>,
      %parallel_loop3A_130 = arith.constant 16 : i32
      %parallel_loop3A_131 = vector.broadcast %parallel_loop3A_130 : i32 to vector<16xi32>
      %parallel_loop3A_132 = arith.shrsi %parallel_loop3A_129, %parallel_loop3A_131 : vector<16xi32>
      tpu.vector_store_idx %arg6[%parallel_loop3A_132], %broadcast_in_dim3A_38 {add = true} : memref<16384xi32, #tpu.memory_space<vmem>>[vector<16xi32>], vector<16xi32>,
    } {sc.loop_unroll_factor = 8 : i64, sc.parallel_access}
    %add3A_59 = arith.constant 49152 : i32
    %add3A_60 = arith.addi %add3A_35, %add3A_59 : i32
    %dma_start3A_61 = tpu.memref_slice %arg2[%add3A_60] : memref<4194304xi32, #tpu.memory_space<hbm>> -> memref<16384xi32, #tpu.memory_space<hbm>>
    %dma_start3A_62 = tpu.memref_slice %arg2[%add3A_60] : memref<4194304xi32, #tpu.memory_space<hbm>> -> memref<16384xi32, #tpu.memory_space<hbm>>
    tpu.enqueue_dma source(%dma_start3A_62 : memref<16384xi32, #tpu.memory_space<hbm>>) target(%arg5 : memref<16384xi32, #tpu.memory_space<vmem>>) target_semaphore(%arg9 : memref<!tpu.dma_semaphore, #tpu.memory_space<semaphore_mem>>)
    %dma_wait3A_63 = tpu.memref_slice %arg2[%add3A_51] : memref<4194304xi32, #tpu.memory_space<hbm>> -> memref<16384xi32, #tpu.memory_space<hbm>>
    %dma_wait3A_64 = tpu.memref_slice %arg2[%add3A_51] : memref<4194304xi32, #tpu.memory_space<hbm>> -> memref<16384xi32, #tpu.memory_space<hbm>>
    tpu.wait_dma2 semaphore(%arg9 : memref<!tpu.dma_semaphore, #tpu.memory_space<semaphore_mem>>) src(%dma_wait3A_64 : memref<16384xi32, #tpu.memory_space<hbm>>) dst(%arg4 : memref<16384xi32, #tpu.memory_space<vmem>>)
    %parallel_loop3A_65 = arith.constant 0 : i32
    %parallel_loop3A_66 = arith.constant 1024 : i32
    %parallel_loop3A_67 = arith.constant 1 : i32
    scf.for %parallel_loop3A_125 = %parallel_loop3A_65 to %parallel_loop3A_66 step %parallel_loop3A_67  : i32 {
      %parallel_loop3A_126 = arith.constant 16 : i32
      %parallel_loop3A_127 = arith.muli %parallel_loop3A_125, %parallel_loop3A_126 : i32
      %parallel_loop3A_128 = arith.index_cast %parallel_loop3A_127 : i32 to index
      %parallel_loop3A_129 = tpu.vector_load %arg4[%parallel_loop3A_128] {strides = array<i32>} : memref<16384xi32, #tpu.memory_space<vmem>>, vector<16xi32>,
      %parallel_loop3A_130 = arith.constant 16 : i32
      %parallel_loop3A_131 = vector.broadcast %parallel_loop3A_130 : i32 to vector<16xi32>
      %parallel_loop3A_132 = arith.shrsi %parallel_loop3A_129, %parallel_loop3A_131 : vector<16xi32>
      tpu.vector_store_idx %arg6[%parallel_loop3A_132], %broadcast_in_dim3A_38 {add = true} : memref<16384xi32, #tpu.memory_space<vmem>>[vector<16xi32>], vector<16xi32>,
    } {sc.loop_unroll_factor = 8 : i64, sc.parallel_access}
    %add3A_68 = arith.constant 65536 : i32
    %add3A_69 = arith.addi %add3A_35, %add3A_68 : i32
    %dma_start3A_70 = tpu.memref_slice %arg2[%add3A_69] : memref<4194304xi32, #tpu.memory_space<hbm>> -> memref<16384xi32, #tpu.memory_space<hbm>>
    %dma_start3A_71 = tpu.memref_slice %arg2[%add3A_69] : memref<4194304xi32, #tpu.memory_space<hbm>> -> memref<16384xi32, #tpu.memory_space<hbm>>
    tpu.enqueue_dma source(%dma_start3A_71 : memref<16384xi32, #tpu.memory_space<hbm>>) target(%arg4 : memref<16384xi32, #tpu.memory_space<vmem>>) target_semaphore(%arg9 : memref<!tpu.dma_semaphore, #tpu.memory_space<semaphore_mem>>)
    %dma_wait3A_72 = tpu.memref_slice %arg2[%add3A_60] : memref<4194304xi32, #tpu.memory_space<hbm>> -> memref<16384xi32, #tpu.memory_space<hbm>>
    %dma_wait3A_73 = tpu.memref_slice %arg2[%add3A_60] : memref<4194304xi32, #tpu.memory_space<hbm>> -> memref<16384xi32, #tpu.memory_space<hbm>>
    tpu.wait_dma2 semaphore(%arg9 : memref<!tpu.dma_semaphore, #tpu.memory_space<semaphore_mem>>) src(%dma_wait3A_73 : memref<16384xi32, #tpu.memory_space<hbm>>) dst(%arg5 : memref<16384xi32, #tpu.memory_space<vmem>>)
    %parallel_loop3A_74 = arith.constant 0 : i32
    %parallel_loop3A_75 = arith.constant 1024 : i32
    %parallel_loop3A_76 = arith.constant 1 : i32
    scf.for %parallel_loop3A_125 = %parallel_loop3A_74 to %parallel_loop3A_75 step %parallel_loop3A_76  : i32 {
      %parallel_loop3A_126 = arith.constant 16 : i32
      %parallel_loop3A_127 = arith.muli %parallel_loop3A_125, %parallel_loop3A_126 : i32
      %parallel_loop3A_128 = arith.index_cast %parallel_loop3A_127 : i32 to index
      %parallel_loop3A_129 = tpu.vector_load %arg5[%parallel_loop3A_128] {strides = array<i32>} : memref<16384xi32, #tpu.memory_space<vmem>>, vector<16xi32>,
      %parallel_loop3A_130 = arith.constant 16 : i32
      %parallel_loop3A_131 = vector.broadcast %parallel_loop3A_130 : i32 to vector<16xi32>
      %parallel_loop3A_132 = arith.shrsi %parallel_loop3A_129, %parallel_loop3A_131 : vector<16xi32>
      tpu.vector_store_idx %arg6[%parallel_loop3A_132], %broadcast_in_dim3A_38 {add = true} : memref<16384xi32, #tpu.memory_space<vmem>>[vector<16xi32>], vector<16xi32>,
    } {sc.loop_unroll_factor = 8 : i64, sc.parallel_access}
    %add3A_77 = arith.constant 81920 : i32
    %add3A_78 = arith.addi %add3A_35, %add3A_77 : i32
    %dma_start3A_79 = tpu.memref_slice %arg2[%add3A_78] : memref<4194304xi32, #tpu.memory_space<hbm>> -> memref<16384xi32, #tpu.memory_space<hbm>>
    %dma_start3A_80 = tpu.memref_slice %arg2[%add3A_78] : memref<4194304xi32, #tpu.memory_space<hbm>> -> memref<16384xi32, #tpu.memory_space<hbm>>
    tpu.enqueue_dma source(%dma_start3A_80 : memref<16384xi32, #tpu.memory_space<hbm>>) target(%arg5 : memref<16384xi32, #tpu.memory_space<vmem>>) target_semaphore(%arg9 : memref<!tpu.dma_semaphore, #tpu.memory_space<semaphore_mem>>)
    %dma_wait3A_81 = tpu.memref_slice %arg2[%add3A_69] : memref<4194304xi32, #tpu.memory_space<hbm>> -> memref<16384xi32, #tpu.memory_space<hbm>>
    %dma_wait3A_82 = tpu.memref_slice %arg2[%add3A_69] : memref<4194304xi32, #tpu.memory_space<hbm>> -> memref<16384xi32, #tpu.memory_space<hbm>>
    tpu.wait_dma2 semaphore(%arg9 : memref<!tpu.dma_semaphore, #tpu.memory_space<semaphore_mem>>) src(%dma_wait3A_82 : memref<16384xi32, #tpu.memory_space<hbm>>) dst(%arg4 : memref<16384xi32, #tpu.memory_space<vmem>>)
    %parallel_loop3A_83 = arith.constant 0 : i32
    %parallel_loop3A_84 = arith.constant 1024 : i32
    %parallel_loop3A_85 = arith.constant 1 : i32
    scf.for %parallel_loop3A_125 = %parallel_loop3A_83 to %parallel_loop3A_84 step %parallel_loop3A_85  : i32 {
      %parallel_loop3A_126 = arith.constant 16 : i32
      %parallel_loop3A_127 = arith.muli %parallel_loop3A_125, %parallel_loop3A_126 : i32
      %parallel_loop3A_128 = arith.index_cast %parallel_loop3A_127 : i32 to index
      %parallel_loop3A_129 = tpu.vector_load %arg4[%parallel_loop3A_128] {strides = array<i32>} : memref<16384xi32, #tpu.memory_space<vmem>>, vector<16xi32>,
      %parallel_loop3A_130 = arith.constant 16 : i32
      %parallel_loop3A_131 = vector.broadcast %parallel_loop3A_130 : i32 to vector<16xi32>
      %parallel_loop3A_132 = arith.shrsi %parallel_loop3A_129, %parallel_loop3A_131 : vector<16xi32>
      tpu.vector_store_idx %arg6[%parallel_loop3A_132], %broadcast_in_dim3A_38 {add = true} : memref<16384xi32, #tpu.memory_space<vmem>>[vector<16xi32>], vector<16xi32>,
    } {sc.loop_unroll_factor = 8 : i64, sc.parallel_access}
    %add3A_86 = arith.constant 98304 : i32
    %add3A_87 = arith.addi %add3A_35, %add3A_86 : i32
    %dma_start3A_88 = tpu.memref_slice %arg2[%add3A_87] : memref<4194304xi32, #tpu.memory_space<hbm>> -> memref<16384xi32, #tpu.memory_space<hbm>>
    %dma_start3A_89 = tpu.memref_slice %arg2[%add3A_87] : memref<4194304xi32, #tpu.memory_space<hbm>> -> memref<16384xi32, #tpu.memory_space<hbm>>
    tpu.enqueue_dma source(%dma_start3A_89 : memref<16384xi32, #tpu.memory_space<hbm>>) target(%arg4 : memref<16384xi32, #tpu.memory_space<vmem>>) target_semaphore(%arg9 : memref<!tpu.dma_semaphore, #tpu.memory_space<semaphore_mem>>)
    %dma_wait3A_90 = tpu.memref_slice %arg2[%add3A_78] : memref<4194304xi32, #tpu.memory_space<hbm>> -> memref<16384xi32, #tpu.memory_space<hbm>>
    %dma_wait3A_91 = tpu.memref_slice %arg2[%add3A_78] : memref<4194304xi32, #tpu.memory_space<hbm>> -> memref<16384xi32, #tpu.memory_space<hbm>>
    tpu.wait_dma2 semaphore(%arg9 : memref<!tpu.dma_semaphore, #tpu.memory_space<semaphore_mem>>) src(%dma_wait3A_91 : memref<16384xi32, #tpu.memory_space<hbm>>) dst(%arg5 : memref<16384xi32, #tpu.memory_space<vmem>>)
    %parallel_loop3A_92 = arith.constant 0 : i32
    %parallel_loop3A_93 = arith.constant 1024 : i32
    %parallel_loop3A_94 = arith.constant 1 : i32
    scf.for %parallel_loop3A_125 = %parallel_loop3A_92 to %parallel_loop3A_93 step %parallel_loop3A_94  : i32 {
      %parallel_loop3A_126 = arith.constant 16 : i32
      %parallel_loop3A_127 = arith.muli %parallel_loop3A_125, %parallel_loop3A_126 : i32
      %parallel_loop3A_128 = arith.index_cast %parallel_loop3A_127 : i32 to index
      %parallel_loop3A_129 = tpu.vector_load %arg5[%parallel_loop3A_128] {strides = array<i32>} : memref<16384xi32, #tpu.memory_space<vmem>>, vector<16xi32>,
      %parallel_loop3A_130 = arith.constant 16 : i32
      %parallel_loop3A_131 = vector.broadcast %parallel_loop3A_130 : i32 to vector<16xi32>
      %parallel_loop3A_132 = arith.shrsi %parallel_loop3A_129, %parallel_loop3A_131 : vector<16xi32>
      tpu.vector_store_idx %arg6[%parallel_loop3A_132], %broadcast_in_dim3A_38 {add = true} : memref<16384xi32, #tpu.memory_space<vmem>>[vector<16xi32>], vector<16xi32>,
    } {sc.loop_unroll_factor = 8 : i64, sc.parallel_access}
    %add3A_95 = arith.constant 114688 : i32
    %add3A_96 = arith.addi %add3A_35, %add3A_95 : i32
    %dma_start3A_97 = tpu.memref_slice %arg2[%add3A_96] : memref<4194304xi32, #tpu.memory_space<hbm>> -> memref<16384xi32, #tpu.memory_space<hbm>>
    %dma_start3A_98 = tpu.memref_slice %arg2[%add3A_96] : memref<4194304xi32, #tpu.memory_space<hbm>> -> memref<16384xi32, #tpu.memory_space<hbm>>
    tpu.enqueue_dma source(%dma_start3A_98 : memref<16384xi32, #tpu.memory_space<hbm>>) target(%arg5 : memref<16384xi32, #tpu.memory_space<vmem>>) target_semaphore(%arg9 : memref<!tpu.dma_semaphore, #tpu.memory_space<semaphore_mem>>)
    %dma_wait3A_99 = tpu.memref_slice %arg2[%add3A_87] : memref<4194304xi32, #tpu.memory_space<hbm>> -> memref<16384xi32, #tpu.memory_space<hbm>>
    %dma_wait3A_100 = tpu.memref_slice %arg2[%add3A_87] : memref<4194304xi32, #tpu.memory_space<hbm>> -> memref<16384xi32, #tpu.memory_space<hbm>>
    tpu.wait_dma2 semaphore(%arg9 : memref<!tpu.dma_semaphore, #tpu.memory_space<semaphore_mem>>) src(%dma_wait3A_100 : memref<16384xi32, #tpu.memory_space<hbm>>) dst(%arg4 : memref<16384xi32, #tpu.memory_space<vmem>>)
    %parallel_loop3A_101 = arith.constant 0 : i32
    %parallel_loop3A_102 = arith.constant 1024 : i32
    %parallel_loop3A_103 = arith.constant 1 : i32
    scf.for %parallel_loop3A_125 = %parallel_loop3A_101 to %parallel_loop3A_102 step %parallel_loop3A_103  : i32 {
      %parallel_loop3A_126 = arith.constant 16 : i32
      %parallel_loop3A_127 = arith.muli %parallel_loop3A_125, %parallel_loop3A_126 : i32
      %parallel_loop3A_128 = arith.index_cast %parallel_loop3A_127 : i32 to index
      %parallel_loop3A_129 = tpu.vector_load %arg4[%parallel_loop3A_128] {strides = array<i32>} : memref<16384xi32, #tpu.memory_space<vmem>>, vector<16xi32>,
      %parallel_loop3A_130 = arith.constant 16 : i32
      %parallel_loop3A_131 = vector.broadcast %parallel_loop3A_130 : i32 to vector<16xi32>
      %parallel_loop3A_132 = arith.shrsi %parallel_loop3A_129, %parallel_loop3A_131 : vector<16xi32>
      tpu.vector_store_idx %arg6[%parallel_loop3A_132], %broadcast_in_dim3A_38 {add = true} : memref<16384xi32, #tpu.memory_space<vmem>>[vector<16xi32>], vector<16xi32>,
    } {sc.loop_unroll_factor = 8 : i64, sc.parallel_access}
    %dma_wait3A_104 = tpu.memref_slice %arg2[%add3A_96] : memref<4194304xi32, #tpu.memory_space<hbm>> -> memref<16384xi32, #tpu.memory_space<hbm>>
    %dma_wait3A_105 = tpu.memref_slice %arg2[%add3A_96] : memref<4194304xi32, #tpu.memory_space<hbm>> -> memref<16384xi32, #tpu.memory_space<hbm>>
    tpu.wait_dma2 semaphore(%arg9 : memref<!tpu.dma_semaphore, #tpu.memory_space<semaphore_mem>>) src(%dma_wait3A_105 : memref<16384xi32, #tpu.memory_space<hbm>>) dst(%arg5 : memref<16384xi32, #tpu.memory_space<vmem>>)
    %parallel_loop3A_106 = arith.constant 0 : i32
    %parallel_loop3A_107 = arith.constant 1024 : i32
    %parallel_loop3A_108 = arith.constant 1 : i32
    scf.for %parallel_loop3A_125 = %parallel_loop3A_106 to %parallel_loop3A_107 step %parallel_loop3A_108  : i32 {
      %parallel_loop3A_126 = arith.constant 16 : i32
      %parallel_loop3A_127 = arith.muli %parallel_loop3A_125, %parallel_loop3A_126 : i32
      %parallel_loop3A_128 = arith.index_cast %parallel_loop3A_127 : i32 to index
      %parallel_loop3A_129 = tpu.vector_load %arg5[%parallel_loop3A_128] {strides = array<i32>} : memref<16384xi32, #tpu.memory_space<vmem>>, vector<16xi32>,
      %parallel_loop3A_130 = arith.constant 16 : i32
      %parallel_loop3A_131 = vector.broadcast %parallel_loop3A_130 : i32 to vector<16xi32>
      %parallel_loop3A_132 = arith.shrsi %parallel_loop3A_129, %parallel_loop3A_131 : vector<16xi32>
      tpu.vector_store_idx %arg6[%parallel_loop3A_132], %broadcast_in_dim3A_38 {add = true} : memref<16384xi32, #tpu.memory_space<vmem>>[vector<16xi32>], vector<16xi32>,
    } {sc.loop_unroll_factor = 8 : i64, sc.parallel_access}
    "tpu.region"() ({
      %run_scoped3A = tpu.sem_alloc : memref<!tpu.dma_semaphore, #tpu.memory_space<semaphore_mem>>
      %dma_start3A_125 = arith.constant 0 : i32
      %dma_start3A_126 = tpu.memref_slice %arg8[%arg1, %dma_start3A_125] : memref<16x16384xi32, #tpu.memory_space<vmem_shared>> -> memref<1x16384xi32, #tpu.memory_space<vmem_shared>>
      %dma_start3A_127 = tpu.memref_squeeze %dma_start3A_126 : memref<1x16384xi32, #tpu.memory_space<vmem_shared>> -> memref<16384xi32, #tpu.memory_space<vmem_shared>>
      %dma_start3A_128 = arith.constant 0 : i32
      %dma_start3A_129 = tpu.memref_slice %arg8[%arg1, %dma_start3A_128] : memref<16x16384xi32, #tpu.memory_space<vmem_shared>> -> memref<1x16384xi32, #tpu.memory_space<vmem_shared>>
      %dma_start3A_130 = tpu.memref_squeeze %dma_start3A_129 : memref<1x16384xi32, #tpu.memory_space<vmem_shared>> -> memref<16384xi32, #tpu.memory_space<vmem_shared>>
      tpu.enqueue_dma source(%arg6 : memref<16384xi32, #tpu.memory_space<vmem>>) target(%dma_start3A_130 : memref<16384xi32, #tpu.memory_space<vmem_shared>>) target_semaphore(%run_scoped3A : memref<!tpu.dma_semaphore, #tpu.memory_space<semaphore_mem>>)
      %dma_wait3A_131 = arith.constant 0 : i32
      %dma_wait3A_132 = tpu.memref_slice %arg8[%arg1, %dma_wait3A_131] : memref<16x16384xi32, #tpu.memory_space<vmem_shared>> -> memref<1x16384xi32, #tpu.memory_space<vmem_shared>>
      %dma_wait3A_133 = tpu.memref_squeeze %dma_wait3A_132 : memref<1x16384xi32, #tpu.memory_space<vmem_shared>> -> memref<16384xi32, #tpu.memory_space<vmem_shared>>
      %dma_wait3A_134 = arith.constant 0 : i32
      %dma_wait3A_135 = tpu.memref_slice %arg8[%arg1, %dma_wait3A_134] : memref<16x16384xi32, #tpu.memory_space<vmem_shared>> -> memref<1x16384xi32, #tpu.memory_space<vmem_shared>>
      %dma_wait3A_136 = tpu.memref_squeeze %dma_wait3A_135 : memref<1x16384xi32, #tpu.memory_space<vmem_shared>> -> memref<16384xi32, #tpu.memory_space<vmem_shared>>
      tpu.wait_dma2 semaphore(%run_scoped3A : memref<!tpu.dma_semaphore, #tpu.memory_space<semaphore_mem>>) src(%arg6 : memref<16384xi32, #tpu.memory_space<vmem>>) dst(%dma_wait3A_136 : memref<16384xi32, #tpu.memory_space<vmem_shared>>)
      tpu.yield
    }) : () -> ()
    %barrier3A = arith.constant 0 : index
    tpu.barrier barrier_id(%barrier3A)
    %xor3A = arith.constant 1 : i32
    %xor3A_109 = arith.xori %arg1, %xor3A : i32
    "tpu.region"() ({
      %run_scoped3A = tpu.sem_alloc : memref<!tpu.dma_semaphore, #tpu.memory_space<semaphore_mem>>
      %dma_start3A_125 = arith.constant 0 : i32
      %dma_start3A_126 = tpu.memref_slice %arg8[%xor3A_109, %dma_start3A_125] : memref<16x16384xi32, #tpu.memory_space<vmem_shared>> -> memref<1x16384xi32, #tpu.memory_space<vmem_shared>>
      %dma_start3A_127 = tpu.memref_squeeze %dma_start3A_126 : memref<1x16384xi32, #tpu.memory_space<vmem_shared>> -> memref<16384xi32, #tpu.memory_space<vmem_shared>>
      %dma_start3A_128 = arith.constant 0 : i32
      %dma_start3A_129 = tpu.memref_slice %arg8[%xor3A_109, %dma_start3A_128] : memref<16x16384xi32, #tpu.memory_space<vmem_shared>> -> memref<1x16384xi32, #tpu.memory_space<vmem_shared>>
      %dma_start3A_130 = tpu.memref_squeeze %dma_start3A_129 : memref<1x16384xi32, #tpu.memory_space<vmem_shared>> -> memref<16384xi32, #tpu.memory_space<vmem_shared>>
      tpu.enqueue_dma source(%dma_start3A_130 : memref<16384xi32, #tpu.memory_space<vmem_shared>>) target(%arg4 : memref<16384xi32, #tpu.memory_space<vmem>>) target_semaphore(%run_scoped3A : memref<!tpu.dma_semaphore, #tpu.memory_space<semaphore_mem>>)
      %dma_wait3A_131 = arith.constant 0 : i32
      %dma_wait3A_132 = tpu.memref_slice %arg8[%xor3A_109, %dma_wait3A_131] : memref<16x16384xi32, #tpu.memory_space<vmem_shared>> -> memref<1x16384xi32, #tpu.memory_space<vmem_shared>>
      %dma_wait3A_133 = tpu.memref_squeeze %dma_wait3A_132 : memref<1x16384xi32, #tpu.memory_space<vmem_shared>> -> memref<16384xi32, #tpu.memory_space<vmem_shared>>
      %dma_wait3A_134 = arith.constant 0 : i32
      %dma_wait3A_135 = tpu.memref_slice %arg8[%xor3A_109, %dma_wait3A_134] : memref<16x16384xi32, #tpu.memory_space<vmem_shared>> -> memref<1x16384xi32, #tpu.memory_space<vmem_shared>>
      %dma_wait3A_136 = tpu.memref_squeeze %dma_wait3A_135 : memref<1x16384xi32, #tpu.memory_space<vmem_shared>> -> memref<16384xi32, #tpu.memory_space<vmem_shared>>
      tpu.wait_dma2 semaphore(%run_scoped3A : memref<!tpu.dma_semaphore, #tpu.memory_space<semaphore_mem>>) src(%dma_wait3A_136 : memref<16384xi32, #tpu.memory_space<vmem_shared>>) dst(%arg4 : memref<16384xi32, #tpu.memory_space<vmem>>)
      tpu.yield
    }) : () -> ()
    %parallel_loop3A_110 = arith.constant 0 : i32
    %parallel_loop3A_111 = arith.constant 1024 : i32
    %parallel_loop3A_112 = arith.constant 1 : i32
    scf.for %parallel_loop3A_125 = %parallel_loop3A_110 to %parallel_loop3A_111 step %parallel_loop3A_112  : i32 {
      %parallel_loop3A_126 = arith.constant 16 : i32
      %parallel_loop3A_127 = arith.muli %parallel_loop3A_125, %parallel_loop3A_126 : i32
      %parallel_loop3A_128 = arith.index_cast %parallel_loop3A_127 : i32 to index
      %parallel_loop3A_129 = tpu.vector_load %arg6[%parallel_loop3A_128] {strides = array<i32>} : memref<16384xi32, #tpu.memory_space<vmem>>, vector<16xi32>,
      %parallel_loop3A_130 = arith.index_cast %parallel_loop3A_127 : i32 to index
      %parallel_loop3A_131 = tpu.vector_load %arg4[%parallel_loop3A_130] {strides = array<i32>} : memref<16384xi32, #tpu.memory_space<vmem>>, vector<16xi32>,
      %parallel_loop3A_132 = arith.addi %parallel_loop3A_129, %parallel_loop3A_131 : vector<16xi32>
      %parallel_loop3A_133 = arith.index_cast %parallel_loop3A_127 : i32 to index
      %parallel_loop3A_134 = tpu.vector_load %arg6[%parallel_loop3A_133] {strides = array<i32>} : memref<16384xi32, #tpu.memory_space<vmem>>, vector<16xi32>,
      tpu.vector_store %arg6[%parallel_loop3A_133], %parallel_loop3A_132 {strides = array<i32>} : memref<16384xi32, #tpu.memory_space<vmem>>, vector<16xi32>,
    } {sc.loop_unroll_factor = 8 : i64, sc.parallel_access}
    %while3A = arith.constant 0 : i32
    %while3A_113 = arith.constant 0 : i32
    %while3A_114 = arith.constant false
    %while3A_115 = arith.constant 0 : i32
    %while3A_116:4 = scf.while (%while3A_125 = %while3A, %while3A_126 = %while3A_113, %while3A_127 = %while3A_114, %while3A_128 = %while3A_115) : (i32, i32, i1, i32) -> (i32, i32, i1, i32) {
      %lt3A_129 = arith.constant 1024 : i32
      %lt3A_130 = arith.cmpi slt, %while3A_125, %lt3A_129 : i32
      %not3A = arith.constant true
      %not3A_131 = arith.xori %while3A_127, %not3A : i1
      %and3A_132 = arith.andi %lt3A_130, %not3A_131 : i1
      scf.condition(%and3A_132) %while3A_125, %while3A_126, %while3A_127, %while3A_128 : i32, i32, i1, i32
    } do {
    ^bb0(%while3A_125: i32, %while3A_126: i32, %while3A_127: i1, %while3A_128: i32):
      %sub3A_129 = arith.constant 1023 : i32
      %sub3A_130 = arith.subi %sub3A_129, %while3A_125 : i32
      %mul3A_131 = arith.constant 16 : i32
      %mul3A_132 = arith.muli %sub3A_130, %mul3A_131 : i32
      %get3A = arith.index_cast %mul3A_132 : i32 to index
      %get3A_133 = tpu.vector_load %arg6[%get3A] {strides = array<i32>} : memref<16384xi32, #tpu.memory_space<vmem>>, vector<16xi32>,
      %rev3A = arith.constant 15 : i32
      %rev3A_134 = vector.broadcast %rev3A : i32 to vector<16xi32>
      %rev3A_135 = tpu.iota {dimensions = array<i32: 0>} : vector<16xi32>
      %rev3A_136 = arith.subi %rev3A_134, %rev3A_135 : vector<16xi32>
      %rev3A_137 = tpu.dynamic_gather %get3A_133[%rev3A_136] in [0] : vector<16xi32>, vector<16xi32> -> vector<16xi32>
      %cumsum3A = arith.constant true
      %cumsum3A_138 = vector.broadcast %cumsum3A : i1 to vector<16xi1>
      %cumsum3A_139 = tpu.scan <sum>, %rev3A_137 masked %cumsum3A_138 : vector<16xi32>, vector<16xi1> -> vector<16xi32>
      %rev3A_140 = arith.constant 15 : i32
      %rev3A_141 = vector.broadcast %rev3A_140 : i32 to vector<16xi32>
      %rev3A_142 = tpu.iota {dimensions = array<i32: 0>} : vector<16xi32>
      %rev3A_143 = arith.subi %rev3A_141, %rev3A_142 : vector<16xi32>
      %rev3A_144 = tpu.dynamic_gather %cumsum3A_139[%rev3A_143] in [0] : vector<16xi32>, vector<16xi32> -> vector<16xi32>
      %add3A_145 = vector.broadcast %while3A_126 : i32 to vector<16xi32>
      %add3A_146 = arith.addi %add3A_145, %rev3A_144 : vector<16xi32>
      %ge3A = arith.constant 4096 : i32
      %ge3A_147 = vector.broadcast %ge3A : i32 to vector<16xi32>
      %ge3A_148 = arith.cmpi sge, %add3A_146, %ge3A_147 : vector<16xi32>
      %convert_element_type3A = arith.extui %ge3A_148 : vector<16xi1> to vector<16xi32>
      %reduce_sum3A = arith.constant true
      %reduce_sum3A_149 = vector.broadcast %reduce_sum3A : i1 to vector<16xi1>
      %reduce_sum3A_150 = tpu.scan <sum>, %convert_element_type3A masked %reduce_sum3A_149 : vector<16xi32>, vector<16xi1> -> vector<16xi32>
      %reduce_sum3A_151 = vector.extract %reduce_sum3A_150[15] : i32 from vector<16xi32>
      %reduce_sum3A_152 = arith.constant true
      %reduce_sum3A_153 = vector.broadcast %reduce_sum3A_152 : i1 to vector<16xi1>
      %reduce_sum3A_154 = tpu.scan <sum>, %get3A_133 masked %reduce_sum3A_153 : vector<16xi32>, vector<16xi1> -> vector<16xi32>
      %reduce_sum3A_155 = vector.extract %reduce_sum3A_154[15] : i32 from vector<16xi32>
      %not3A = arith.constant true
      %not3A_156 = arith.xori %while3A_127, %not3A : i1
      %add3A_157 = arith.addi %while3A_126, %reduce_sum3A_155 : i32
      %ge3A_158 = arith.constant 4096 : i32
      %ge3A_159 = arith.cmpi sge, %add3A_157, %ge3A_158 : i32
      %and3A_160 = arith.andi %not3A_156, %ge3A_159 : i1
      %mul3A_161 = arith.constant 16 : i32
      %mul3A_162 = arith.muli %sub3A_130, %mul3A_161 : i32
      %add3A_163 = arith.addi %mul3A_162, %reduce_sum3A_151 : i32
      %sub3A_164 = arith.constant 1 : i32
      %sub3A_165 = arith.subi %add3A_163, %sub3A_164 : i32
      %select_n3A_166 = arith.select %and3A_160, %sub3A_165, %while3A_128 : i32
      %add3A_167 = arith.constant 1 : i32
      %add3A_168 = arith.addi %while3A_125, %add3A_167 : i32
      %add3A_169 = arith.addi %while3A_126, %reduce_sum3A_155 : i32
      %or3A = arith.ori %while3A_127, %and3A_160 : i1
      scf.yield %add3A_168, %add3A_169, %or3A, %select_n3A_166 : i32, i32, i1, i32
    }
    %broadcast_in_dim3A_117 = arith.constant 65536 : i32
    %broadcast_in_dim3A_118 = vector.broadcast %broadcast_in_dim3A_117 : i32 to vector<16xi32>
    %mul3A_119 = vector.broadcast %while3A_116#3 : i32 to vector<16xi32>
    %mul3A_120 = arith.muli %broadcast_in_dim3A_118, %mul3A_119 : vector<16xi32>
    %bitcast_convert_type3A = tpu.bitcast %mul3A_120 : vector<16xi32> -> vector<16xf32>
    %swap3A = arith.constant 0 : index
    %swap3A_121 = tpu.vector_load %arg7[%swap3A] {strides = array<i32>} : memref<16xf32, #tpu.memory_space<vmem>>, vector<16xf32>,
    tpu.vector_store %arg7[%swap3A], %bitcast_convert_type3A {strides = array<i32>} : memref<16xf32, #tpu.memory_space<vmem>>, vector<16xf32>,
    %mul3A_122 = arith.constant 16 : i32
    %mul3A_123 = arith.muli %arg0, %mul3A_122 : i32
    %add3A_124 = arith.addi %mul3A_123, %arg1 : i32
    "tpu.region"() ({
      %run_scoped3A = tpu.sem_alloc : memref<!tpu.dma_semaphore, #tpu.memory_space<semaphore_mem>>
      %dma_start3A_125 = arith.constant 0 : i32
      %dma_start3A_126 = tpu.memref_slice %arg3[%add3A_124, %dma_start3A_125] : memref<32x16xf32, #tpu.memory_space<hbm>> -> memref<1x16xf32, #tpu.memory_space<hbm>>
      %dma_start3A_127 = tpu.memref_squeeze %dma_start3A_126 : memref<1x16xf32, #tpu.memory_space<hbm>> -> memref<16xf32, #tpu.memory_space<hbm>>
      %dma_start3A_128 = arith.constant 0 : i32
      %dma_start3A_129 = tpu.memref_slice %arg3[%add3A_124, %dma_start3A_128] : memref<32x16xf32, #tpu.memory_space<hbm>> -> memref<1x16xf32, #tpu.memory_space<hbm>>
      %dma_start3A_130 = tpu.memref_squeeze %dma_start3A_129 : memref<1x16xf32, #tpu.memory_space<hbm>> -> memref<16xf32, #tpu.memory_space<hbm>>
      tpu.enqueue_dma source(%arg7 : memref<16xf32, #tpu.memory_space<vmem>>) target(%dma_start3A_130 : memref<16xf32, #tpu.memory_space<hbm>>) target_semaphore(%run_scoped3A : memref<!tpu.dma_semaphore, #tpu.memory_space<semaphore_mem>>)
      %dma_wait3A_131 = arith.constant 0 : i32
      %dma_wait3A_132 = tpu.memref_slice %arg3[%add3A_124, %dma_wait3A_131] : memref<32x16xf32, #tpu.memory_space<hbm>> -> memref<1x16xf32, #tpu.memory_space<hbm>>
      %dma_wait3A_133 = tpu.memref_squeeze %dma_wait3A_132 : memref<1x16xf32, #tpu.memory_space<hbm>> -> memref<16xf32, #tpu.memory_space<hbm>>
      %dma_wait3A_134 = arith.constant 0 : i32
      %dma_wait3A_135 = tpu.memref_slice %arg3[%add3A_124, %dma_wait3A_134] : memref<32x16xf32, #tpu.memory_space<hbm>> -> memref<1x16xf32, #tpu.memory_space<hbm>>
      %dma_wait3A_136 = tpu.memref_squeeze %dma_wait3A_135 : memref<1x16xf32, #tpu.memory_space<hbm>> -> memref<16xf32, #tpu.memory_space<hbm>>
      tpu.wait_dma2 semaphore(%run_scoped3A : memref<!tpu.dma_semaphore, #tpu.memory_space<semaphore_mem>>) src(%arg7 : memref<16xf32, #tpu.memory_space<vmem>>) dst(%dma_wait3A_136 : memref<16xf32, #tpu.memory_space<hbm>>)
      tpu.yield
    }) : () -> ()
    return
  }
}

module attributes {stable_mosaic.version = 14 : i64} {
  func.func @_tc_body(%arg0: i32, %arg1: i32, %arg2: memref<1x512x2x128xf32, #tpu.memory_space<vmem>>, %arg3: memref<1x512x2x128xf32, #tpu.memory_space<vmem>>, %arg4: memref<1x512x128xf32, #tpu.memory_space<vmem>>, %arg5: memref<32x16xf32, #tpu.memory_space<smem>>, %arg6: memref<1x1xf32, #tpu.memory_space<vmem>>) attributes {dimension_semantics = [#tpu.dimension_semantics<arbitrary>, #tpu.dimension_semantics<arbitrary>], iteration_bounds = array<i64: 16, 4>, scalar_prefetch = 0 : i64, scratch_operands = 0 : i64, tpu.core_type = #tpu.core_type<tc>, window_params = [{transform_indices = @transform_0, window_bounds = array<i64: 1, 512, 2, 128>}, {transform_indices = @transform_1, window_bounds = array<i64: 1, 512, 2, 128>}, {transform_indices = @transform_2, window_bounds = array<i64: 1, 512, 128>}, {transform_indices = @transform_3, window_bounds = array<i64: 32, 16>}, {pipeline_mode = #tpu.pipeline_mode<synchronous>, transform_indices = @transform_4, window_bounds = array<i64: 1, 1>}]} {
    %get3A = arith.constant 0 : index
    %get3A_0 = arith.constant 0 : index
    %get3A_1 = arith.constant 0 : index
    %get3A_2 = arith.constant 0 : index
    %get3A_3 = vector.load %arg2[%get3A, %get3A_0, %get3A_1, %get3A_2] : memref<1x512x2x128xf32, #tpu.memory_space<vmem>>, vector<1x512x2x128xf32>
    %get3A_4 = vector.shape_cast %get3A_3 : vector<1x512x2x128xf32> to vector<512x2x128xf32>
    %get3A_5 = arith.constant 0 : index
    %get3A_6 = arith.constant 0 : index
    %get3A_7 = arith.constant 0 : index
    %get3A_8 = arith.constant 0 : index
    %get3A_9 = vector.load %arg3[%get3A_5, %get3A_6, %get3A_7, %get3A_8] : memref<1x512x2x128xf32, #tpu.memory_space<vmem>>, vector<1x512x2x128xf32>
    %get3A_10 = vector.shape_cast %get3A_9 : vector<1x512x2x128xf32> to vector<512x2x128xf32>
    %add3A = arith.addf %get3A_4, %get3A_10 : vector<512x2x128xf32>
    %reshape3A = vector.shape_cast %add3A : vector<512x2x128xf32> to vector<1024x128xf32>
    %iota3A = tpu.iota {dimensions = array<i32: 0>} : vector<128x256xi32>
    %iota3A_11 = tpu.iota {dimensions = array<i32: 1>} : vector<128x256xi32>
    %mul3A = arith.constant 2 : i32
    %mul3A_12 = vector.broadcast %mul3A : i32 to vector<128x256xi32>
    %mul3A_13 = arith.muli %mul3A_12, %iota3A : vector<128x256xi32>
    %eq3A = arith.cmpi eq, %iota3A_11, %mul3A_13 : vector<128x256xi32>
    %convert_element_type3A = arith.extui %eq3A : vector<128x256xi1> to vector<128x256xi32>
    %convert_element_type3A_14 = arith.sitofp %convert_element_type3A : vector<128x256xi32> to vector<128x256xf32>
    %mul3A_15 = arith.constant 2 : i32
    %mul3A_16 = vector.broadcast %mul3A_15 : i32 to vector<128x256xi32>
    %mul3A_17 = arith.muli %mul3A_16, %iota3A : vector<128x256xi32>
    %add3A_18 = arith.constant 1 : i32
    %add3A_19 = vector.broadcast %add3A_18 : i32 to vector<128x256xi32>
    %add3A_20 = arith.addi %mul3A_17, %add3A_19 : vector<128x256xi32>
    %eq3A_21 = arith.cmpi eq, %iota3A_11, %add3A_20 : vector<128x256xi32>
    %convert_element_type3A_22 = arith.extui %eq3A_21 : vector<128x256xi1> to vector<128x256xi32>
    %convert_element_type3A_23 = arith.sitofp %convert_element_type3A_22 : vector<128x256xi32> to vector<128x256xf32>
    %sub3A = arith.subf %convert_element_type3A_14, %convert_element_type3A_23 : vector<128x256xf32>
    %slice3A = vector.extract_strided_slice %reshape3A {offsets = [0, 0], sizes = [256, 128], strides = [1, 1]} : vector<1024x128xf32> to vector<256x128xf32>
    %dot_general3A = arith.constant dense<0.000000e+00> : vector<128x128xf32>
    %dot_general3A_24 = tpu.matmul %sub3A, %slice3A, %dot_general3A {dimension_numbers = #tpu.dot_dimension_numbers<[1], [0], [0], [1], [0, 0, 1, 1], [], []>, transpose_lhs_hint = false} : vector<128x256xf32>, vector<256x128xf32>, vector<128x128xf32> -> vector<128x128xf32>
    %slice3A_25 = vector.extract_strided_slice %reshape3A {offsets = [256, 0], sizes = [256, 128], strides = [1, 1]} : vector<1024x128xf32> to vector<256x128xf32>
    %dot_general3A_26 = arith.constant dense<0.000000e+00> : vector<128x128xf32>
    %dot_general3A_27 = tpu.matmul %sub3A, %slice3A_25, %dot_general3A_26 {dimension_numbers = #tpu.dot_dimension_numbers<[1], [0], [0], [1], [0, 0, 1, 1], [], []>, transpose_lhs_hint = false} : vector<128x256xf32>, vector<256x128xf32>, vector<128x128xf32> -> vector<128x128xf32>
    %slice3A_28 = vector.extract_strided_slice %reshape3A {offsets = [512, 0], sizes = [256, 128], strides = [1, 1]} : vector<1024x128xf32> to vector<256x128xf32>
    %dot_general3A_29 = arith.constant dense<0.000000e+00> : vector<128x128xf32>
    %dot_general3A_30 = tpu.matmul %sub3A, %slice3A_28, %dot_general3A_29 {dimension_numbers = #tpu.dot_dimension_numbers<[1], [0], [0], [1], [0, 0, 1, 1], [], []>, transpose_lhs_hint = false} : vector<128x256xf32>, vector<256x128xf32>, vector<128x128xf32> -> vector<128x128xf32>
    %slice3A_31 = vector.extract_strided_slice %reshape3A {offsets = [768, 0], sizes = [256, 128], strides = [1, 1]} : vector<1024x128xf32> to vector<256x128xf32>
    %dot_general3A_32 = arith.constant dense<0.000000e+00> : vector<128x128xf32>
    %dot_general3A_33 = tpu.matmul %sub3A, %slice3A_31, %dot_general3A_32 {dimension_numbers = #tpu.dot_dimension_numbers<[1], [0], [0], [1], [0, 0, 1, 1], [], []>, transpose_lhs_hint = false} : vector<128x256xf32>, vector<256x128xf32>, vector<128x128xf32> -> vector<128x128xf32>
    %concatenate3A = tpu.concatenate %dot_general3A_24, %dot_general3A_27, %dot_general3A_30, %dot_general3A_33 in 0 : vector<128x128xf32>, vector<128x128xf32>, vector<128x128xf32>, vector<128x128xf32> -> vector<512x128xf32>
    %max3A = arith.constant 0.000000e+00 : f32
    %max3A_34 = vector.broadcast %max3A : f32 to vector<512x128xf32>
    %max3A_35 = arith.maximumf %concatenate3A, %max3A_34 : vector<512x128xf32>
    %abs3A = math.absf %concatenate3A : vector<512x128xf32>
    %neg3A = arith.constant 0.000000e+00 : f32
    %neg3A_36 = vector.broadcast %neg3A : f32 to vector<512x128xf32>
    %neg3A_37 = arith.subf %neg3A_36, %abs3A : vector<512x128xf32>
    %exp3A = math.exp %neg3A_37 : vector<512x128xf32>
    %log1p3A = math.log1p %exp3A : vector<512x128xf32>
    %add3A_38 = arith.addf %max3A_35, %log1p3A : vector<512x128xf32>
    %jit3A = arith.constant 8 : i32
    %div3A = arith.divsi %arg0, %jit3A : i32
    %sign3A = arith.constant 0 : i32
    %sign3A_39 = arith.cmpi sgt, %arg0, %sign3A : i32
    %sign3A_40 = arith.extui %sign3A_39 : i1 to i32
    %sign3A_41 = arith.constant 0 : i32
    %sign3A_42 = arith.cmpi slt, %arg0, %sign3A_41 : i32
    %sign3A_43 = arith.extui %sign3A_42 : i1 to i32
    %sign3A_44 = arith.subi %sign3A_40, %sign3A_43 : i32
    %sign3A_45 = arith.constant 0 : i32
    %sign3A_46 = arith.cmpi sgt, %jit3A, %sign3A_45 : i32
    %sign3A_47 = arith.extui %sign3A_46 : i1 to i32
    %sign3A_48 = arith.constant 0 : i32
    %sign3A_49 = arith.cmpi slt, %jit3A, %sign3A_48 : i32
    %sign3A_50 = arith.extui %sign3A_49 : i1 to i32
    %sign3A_51 = arith.subi %sign3A_47, %sign3A_50 : i32
    %ne3A = arith.cmpi ne, %sign3A_44, %sign3A_51 : i32
    %rem3A = arith.remsi %arg0, %jit3A : i32
    %ne3A_52 = arith.constant 0 : i32
    %ne3A_53 = arith.cmpi ne, %rem3A, %ne3A_52 : i32
    %and3A = arith.andi %ne3A, %ne3A_53 : i1
    %sub3A_54 = arith.constant 1 : i32
    %sub3A_55 = arith.subi %div3A, %sub3A_54 : i32
    %select_n3A = arith.select %and3A, %sub3A_55, %div3A : i32
    %mul3A_56 = arith.constant 16 : i32
    %mul3A_57 = arith.muli %select_n3A, %mul3A_56 : i32
    %jit3A_58 = arith.constant 8 : i32
    %eq3A_59 = arith.constant 0 : i32
    %eq3A_60 = arith.cmpi eq, %jit3A_58, %eq3A_59 : i32
    %jit3A_61 = arith.constant 1 : i32
    %select_n3A_62 = arith.select %eq3A_60, %jit3A_61, %jit3A_58 : i32
    %rem3A_63 = arith.remsi %arg0, %select_n3A_62 : i32
    %ne3A_64 = arith.constant 0 : i32
    %ne3A_65 = arith.cmpi ne, %rem3A_63, %ne3A_64 : i32
    %lt3A = arith.constant 0 : i32
    %lt3A_66 = arith.cmpi slt, %rem3A_63, %lt3A : i32
    %lt3A_67 = arith.constant 0 : i32
    %lt3A_68 = arith.cmpi slt, %select_n3A_62, %lt3A_67 : i32
    %ne3A_69 = arith.xori %lt3A_66, %lt3A_68 : i1
    %and3A_70 = arith.andi %ne3A_69, %ne3A_65 : i1
    %add3A_71 = arith.addi %rem3A_63, %select_n3A_62 : i32
    %select_n3A_72 = arith.select %and3A_70, %add3A_71, %rem3A_63 : i32
    %mul3A_73 = arith.constant 2 : i32
    %mul3A_74 = arith.muli %mul3A_73, %select_n3A_72 : i32
    %add3A_75 = arith.addi %mul3A_57, %mul3A_74 : i32
    %get3A_76 = arith.constant 0 : index
    %get3A_77 = arith.constant 0 : index
    %get3A_78 = arith.constant 0 : index
    %get3A_79 = vector.load %arg4[%get3A_76, %get3A_77, %get3A_78] : memref<1x512x128xf32, #tpu.memory_space<vmem>>, vector<1x512x128xf32>
    %get3A_80 = vector.shape_cast %get3A_79 : vector<1x512x128xf32> to vector<512x128xf32>
    %get3A_81 = arith.index_cast %add3A_75 : i32 to index
    %get3A_82 = arith.constant 0 : index
    %get3A_83 = memref.load %arg5[%get3A_81, %get3A_82] : memref<32x16xf32, #tpu.memory_space<smem>>
    %ge3A = vector.broadcast %get3A_83 : f32 to vector<512x128xf32>
    %ge3A_84 = arith.cmpf oge, %get3A_80, %ge3A : vector<512x128xf32>
    %neg3A_85 = arith.constant 0.000000e+00 : f32
    %neg3A_86 = vector.broadcast %neg3A_85 : f32 to vector<512x128xf32>
    %neg3A_87 = arith.subf %neg3A_86, %concatenate3A : vector<512x128xf32>
    %min3A = arith.constant 27.6310215 : f32
    %min3A_88 = vector.broadcast %min3A : f32 to vector<512x128xf32>
    %min3A_89 = arith.minimumf %neg3A_87, %min3A_88 : vector<512x128xf32>
    %jit3A_90 = arith.constant 0.000000e+00 : f32
    %broadcast_in_dim3A = vector.broadcast %jit3A_90 : f32 to vector<512x128xf32>
    %select_n3A_91 = arith.select %ge3A_84, %min3A_89, %broadcast_in_dim3A : vector<512x128xi1>, vector<512x128xf32>
    %add3A_92 = arith.addf %add3A_38, %select_n3A_91 : vector<512x128xf32>
    %reduce_sum3A = vector.shape_cast %add3A_92 : vector<512x128xf32> to vector<1x512x128xf32>
    %reduce_sum3A_93 = arith.constant dense<0.000000e+00> : vector<1xf32>
    %reduce_sum3A_94 = vector.multi_reduction <add>, %reduce_sum3A, %reduce_sum3A_93 [1, 2] : vector<1x512x128xf32> to vector<1xf32>
    %reduce_sum3A_95 = vector.shape_cast %reduce_sum3A_94 : vector<1xf32> to vector<1x1x1xf32>
    %reduce_sum3A_96 = vector.extract %reduce_sum3A_95[0, 0, 0] : f32 from vector<1x1x1xf32>
    %reshape3A_97 = vector.broadcast %reduce_sum3A_96 : f32 to vector<1x1xf32>
    %eq3A_98 = arith.constant 0 : i32
    %eq3A_99 = arith.cmpi eq, %arg0, %eq3A_98 : i32
    %eq3A_100 = arith.constant 0 : i32
    %eq3A_101 = arith.cmpi eq, %arg1, %eq3A_100 : i32
    %and3A_102 = arith.andi %eq3A_99, %eq3A_101 : i1
    %convert_element_type3A_103 = arith.extui %and3A_102 : i1 to i32
    %cond3A = arith.constant 0 : i32
    %cond3A_104 = arith.cmpi ne, %convert_element_type3A_103, %cond3A : i32
    scf.if %cond3A_104 {
      %swap3A = arith.constant 0 : index
      %swap3A_109 = arith.constant 0 : index
      %swap3A_110 = vector.load %arg6[%swap3A, %swap3A_109] : memref<1x1xf32, #tpu.memory_space<vmem>>, vector<1x1xf32>
      tpu.vector_store %arg6[%swap3A, %swap3A_109], %reshape3A_97 {strides = array<i32>} : memref<1x1xf32, #tpu.memory_space<vmem>>, vector<1x1xf32>,
    } else {
    }
    %not3A = arith.constant true
    %not3A_105 = arith.xori %and3A_102, %not3A : i1
    %convert_element_type3A_106 = arith.extui %not3A_105 : i1 to i32
    %cond3A_107 = arith.constant 0 : i32
    %cond3A_108 = arith.cmpi ne, %convert_element_type3A_106, %cond3A_107 : i32
    scf.if %cond3A_108 {
      %get3A_109 = arith.constant 0 : index
      %get3A_110 = arith.constant 0 : index
      %get3A_111 = vector.load %arg6[%get3A_109, %get3A_110] : memref<1x1xf32, #tpu.memory_space<vmem>>, vector<1x1xf32>
      %add3A_112 = arith.addf %get3A_111, %reshape3A_97 : vector<1x1xf32>
      %swap3A = arith.constant 0 : index
      %swap3A_113 = arith.constant 0 : index
      %swap3A_114 = vector.load %arg6[%swap3A, %swap3A_113] : memref<1x1xf32, #tpu.memory_space<vmem>>, vector<1x1xf32>
      tpu.vector_store %arg6[%swap3A, %swap3A_113], %add3A_112 {strides = array<i32>} : memref<1x1xf32, #tpu.memory_space<vmem>>, vector<1x1xf32>,
    } else {
    }
    return
  }
  func.func @transform_0(%arg0: i32, %arg1: i32) -> (i32, i32, i32, i32) {
    %c0_i32 = arith.constant 0 : i32
    %c0_i32_0 = arith.constant 0 : i32
    %c0_i32_1 = arith.constant 0 : i32
    return %arg0, %arg1, %c0_i32, %c0_i32_0 : i32, i32, i32, i32
  }
  func.func @transform_1(%arg0: i32, %arg1: i32) -> (i32, i32, i32, i32) {
    %c0_i32 = arith.constant 0 : i32
    %c0_i32_0 = arith.constant 0 : i32
    %c0_i32_1 = arith.constant 0 : i32
    return %arg0, %arg1, %c0_i32, %c0_i32_0 : i32, i32, i32, i32
  }
  func.func @transform_2(%arg0: i32, %arg1: i32) -> (i32, i32, i32) {
    %c0_i32 = arith.constant 0 : i32
    %c0_i32_0 = arith.constant 0 : i32
    return %arg0, %arg1, %c0_i32 : i32, i32, i32
  }
  func.func @transform_3(%arg0: i32, %arg1: i32) -> (i32, i32) {
    %c0_i32 = arith.constant 0 : i32
    %c0_i32_0 = arith.constant 0 : i32
    %c0_i32_1 = arith.constant 0 : i32
    return %c0_i32, %c0_i32_0 : i32, i32
  }
  func.func @transform_4(%arg0: i32, %arg1: i32) -> (i32, i32) {
    %c0_i32 = arith.constant 0 : i32
    %c0_i32_0 = arith.constant 0 : i32
    %c0_i32_1 = arith.constant 0 : i32
    return %c0_i32, %c0_i32_0 : i32, i32
  }
}

</mosaic_0001>

<sc_bundles>
// kernel: kernel.4.cloned.1.call-start
scs
__scs_entry_jumppad:
0x0: {  	(pc) =	sbr.rel $0x88, $3  }
0x1: {  	(tag) =	ssettag $0x0;
	lr =	simm.s32 $0x1  }
0x2: {  	[smem:$0x3F9E] =	sst lr;
	_ =	strace $0xD0000000  }
0x3: {  	_ = 	snop  }
0x4: {  	_ = 	snop  }
0x5: {  	_ = 	snop  }
0x6: {  	_ = 	snop  }
0x7: {  	_ = 	snop  }
__scs_overlays_trampoline_lowered:
0x8: {  	[smem:$0x3FAD] =	sst s0  }
0x9: {  	[smem:$0x3FAE] =	sst s1  }
0xa: {  	[smem:$0x3FAF] =	sst s2  }
0xb: {  	[smem:$0x3FB0] =	sst s3  }
0xc: {  	[smem:$0x3FB1] =	sst s4  }
0xd: {  	[smem:$0x3FB2] =	sst s5  }
0xe: {  	[smem:$0x3FB3] =	sst s6  }
0xf: {  	[smem:$0x3FB4] =	sst s7  }
0x10: {  	[smem:$0x3FB5] =	sst s8  }
0x11: {  	[smem:$0x3FB6] =	sst s9;
	s0 =	simm.s32 @!p0 $0x0  }
0x12: {  	s1 =	sld [smem:$0x3F9C];
	s0 =	simm.s32 @p0 $0x1  }
0x13: {  	[smem:$0x3FB7] =	sst s0;
	s0 =	simm.s32 @!p1 $0x0  }
0x14: {  	s2 =	sld [smem:$0x3F9B];
	s0 =	simm.s32 @p1 $0x1  }
0x15: {  	[smem:$0x3FB8] =	sst s0;
	s0 =	simm.s32 @!p2 $0x0  }
0x16: {  	s3 =	sld [smem:$0x3FDB];
	s0 =	simm.s32 @p2 $0x1  }
0x17: {  	s4 =	simm.s32 $0x1BF5;
	[smem:$0x3FBA] =	sst s0  }
0x18: {  	s0 =	sld [smem:$0x3F9D];
	_ =	swait.ge [sflag:s4], $0x0  }
0x19: {  	s7 =	sld [smem:$0x3F9E]  }
0x1a: {  	s8 =	sadd.s32 $0xFFFFE003, lr  }
0x1b: {  	s9 =	sadd.s32 $0xFFFFFEF7, lr;
	s5 =	simm.s32 $0xFFFFFFFF;
	p2 =	slt.u32 s8, $0xFFFFF086  }
0x1c: {  	p1 =	slt.u32 s9, $0xF7A;
	s5 =	simm.s32 @!p2 $0x0  }
0x1d: {  	s5 =	simm.s32 @p1 $0x1;
	p0 =	seq.s32 s7, s2  }
0x1e: {  	s7 =	smul.u32 @!p0 $0xF7A, s2;
	p2 =	seq.s32 @!p0 s5, $0x0  }
0x1f: {  	s9 =	smul.u32 $0xF7A, s1;
	s8 =	simm.s32 @!p0 $0x1BF5;
	p2 =	por !p2, p0  }
0x20: {  	[sflag:s8] =	ssyncset.s32 @!p0 $0xFFFFF086;
	s6 =	sadd.s32 @!p0 s3, s7;
	s7 =	simm.s32 @!p0 $0x108  }
0x21: {  	s3 =	sadd.s32 s3, s9;
	s6 =	sadd.s32 @!p0 $0x88, s6;
	s7 =	simm.s32 @p2 $0x1082  }
0x22: {  	[simem:s7], [sflag:s8] =	dma.local @!p0 [hbm:s6], $0xF7A  }
0x23: {  	s9 =	sor.u32 $0xD0000000, s2;
	s6 =	simm.s32 $0x108;
	_ =	swait.ge @!p0 [sflag:s8], $0x0  }
0x24: {  	s3 =	sadd.s32 $0x88, s3;
	s6 =	simm.s32 @!p1 $0x1082;
	[sflag:s4] =	ssyncset.s32 $0xFFFFF086  }
0x25: {  	[simem:s6], [sflag:s4] =	dma.local [hbm:s3], $0xF7A  }
0x26: {  	[smem:$0x3F9E] =	sst s1;
	(tag) =	ssettag s2;
	_ =	strace s9  }
0x27: {  	s1 =	sld [smem:$0x3FAE]  }
0x28: {  	s2 =	sld [smem:$0x3FAF]  }
0x29: {  	s4 =	sld [smem:$0x3FB1]  }
0x2a: {  	p0 =	seq.s32 s5, $0x0;
	s5 =	sld [smem:$0x3FB2]  }
0x2b: {  	s6 =	sld [smem:$0x3FB3]  }
0x2c: {  	s7 =	sld [smem:$0x3FB4]  }
0x2d: {  	s3 =	simm.s32 $0x108;
	s8 =	sld [smem:$0x3FB5]  }
0x2e: {  	s3 =	simm.s32 @!p0 $0x1082;
	s9 =	sld [smem:$0x3FB6]  }
0x2f: {  	lr =	sadd.s32 s0, s3;
	s0 =	sld [smem:$0x3FAD]  }
0x30: {  	s3 =	sld [smem:$0x3FB0]  }
0x31: {  	[smem:$0x3FB9] =	sst s10  }
0x32: {  	s10 =	sld [smem:$0x3FB7];
	_ =	sdelay $0x3  }
0x33: {  	p0 =	seq.s32 s10, $0x1;
	s10 =	sld [smem:$0x3FB9];
	_ =	sdelay $0x3  }
0x34: {  	[smem:$0x3FB9] =	sst s10  }
0x35: {  	s10 =	sld [smem:$0x3FB8];
	_ =	sdelay $0x3  }
0x36: {  	p1 =	seq.s32 s10, $0x1;
	s10 =	sld [smem:$0x3FB9];
	_ =	sdelay $0x3  }
0x37: {  	[smem:$0x3FB9] =	sst s10  }
0x38: {  	s10 =	sld [smem:$0x3FBA]  }
0x39: {  	_ = 	snop;
	(pc) =	sbr.ind lr, $3  }
0x3a: {  	_ = 	snop  }
0x3b: {  	_ = 	snop  }
0x3c: {  	p2 =	seq.s32 s10, $0x1;
	s10 =	sld [smem:$0x3FB9]  }
0x3d: {  	_ =	shalt  }
0x3e: {  	_ =	shalt  }
0x3f: {  	_ =	shalt  }
0x40: {  	_ =	shalt  }
0x41: {  	_ =	shalt  }
0x42: {  	_ =	shalt  }
0x43: {  	_ =	shalt  }
0x44: {  	_ =	shalt  }
0x45: {  	_ =	shalt  }
0x46: {  	_ =	shalt  }
0x47: {  	_ =	shalt  }
0x48: {  	_ =	shalt  }
0x49: {  	_ =	shalt  }
0x4a: {  	_ =	shalt  }
0x4b: {  	_ =	shalt  }
0x4c: {  	_ =	shalt  }
0x4d: {  	_ =	shalt  }
0x4e: {  	_ =	shalt  }
0x4f: {  	_ =	shalt  }
0x50: {  	_ =	shalt  }
0x51: {  	_ =	shalt  }
0x52: {  	_ =	shalt  }
0x53: {  	_ =	shalt  }
0x54: {  	_ =	shalt  }
0x55: {  	_ =	shalt  }
0x56: {  	_ =	shalt  }
0x57: {  	_ =	shalt  }
0x58: {  	_ =	shalt  }
0x59: {  	_ =	shalt  }
0x5a: {  	_ =	shalt  }
0x5b: {  	_ =	shalt  }
0x5c: {  	_ =	shalt  }
0x5d: {  	_ =	shalt  }
0x5e: {  	_ =	shalt  }
0x5f: {  	_ =	shalt  }
0x60: {  	_ =	shalt  }
0x61: {  	_ =	shalt  }
0x62: {  	_ =	shalt  }
0x63: {  	_ =	shalt  }
0x64: {  	_ =	shalt  }
0x65: {  	_ =	shalt  }
0x66: {  	_ =	shalt  }
0x67: {  	_ =	shalt  }
0x68: {  	_ =	shalt  }
0x69: {  	_ =	shalt  }
0x6a: {  	_ =	shalt  }
0x6b: {  	_ =	shalt  }
0x6c: {  	_ =	shalt  }
0x6d: {  	_ =	shalt  }
0x6e: {  	_ =	shalt  }
0x6f: {  	_ =	shalt  }
0x70: {  	_ =	shalt  }
0x71: {  	_ =	shalt  }
0x72: {  	_ =	shalt  }
0x73: {  	_ =	shalt  }
0x74: {  	_ =	shalt  }
0x75: {  	_ =	shalt  }
0x76: {  	_ =	shalt  }
0x77: {  	_ =	shalt  }
0x78: {  	_ =	shalt  }
0x79: {  	_ =	shalt  }
0x7a: {  	_ =	shalt  }
0x7b: {  	_ =	shalt  }
0x7c: {  	_ =	shalt  }
0x7d: {  	_ =	shalt  }
0x7e: {  	_ =	shalt  }
0x7f: {  	_ =	shalt  }
0x80: {  	_ =	shalt  }
0x81: {  	_ =	shalt  }
0x82: {  	_ =	shalt  }
0x83: {  	_ =	shalt  }
0x84: {  	_ =	shalt  }
0x85: {  	_ =	shalt  }
0x86: {  	_ =	shalt  }
0x87: {  	_ =	shalt  }
.Lfunc_end0:
.L_simem_size_0:
called_computation_lowered:
.L_overlay_start_0:
0x88: {  	s2 =	sld [smem:$0x3FD9]  }
0x89: {  	s3 =	sld [smem:$0x3FFE];
	_ =	sdelay $0x1  }
0x8a: {  	s1 =	srdreg.scid  }
0x8b: {  	s0 =	sand.u32 $0x1, s1  }
0x8c: {  	s16 =	sshll.u32 s0, $0xA;
	s2 =	sadd.s32 s3, s2  }
0x8d: {  	s2 =	sadd.s32 s2, s16  }
0x8e: {  	[smem:$0x3FC5] =	sst s2  }
0x8f: {  	_ = 	snop  }
0x90: {  	(tm) =	ssettm $0x1  }
0x91: {  	s17 =	sld [smem:$0x3FFB];
	_ =	sdelay $0x3  }
0x92: {  	_ =	strace s17  }
0x93: {  	s2 =	sld [smem:$0x3FFC];
	_ =	sdelay $0x3  }
0x94: {  	_ =	strace s2  }
0x95: {  	s2 =	sld [smem:$0x3FFD];
	_ =	sdelay $0x3  }
0x96: {  	_ =	strace s2  }
0x97: {  	_ =	strace $0x8FFFFFFF  }
0x98: {  	s18 =	sld [smem:$0x3FDB];
	_ =	sdelay $0x1  }
0x99: {  	s19 =	simm.s32 $_scs_section_size  }
0x9a: {  	s4 =	simm.s32 $_size__tile_overlayer_lowered;
	s5 =	simm.s32 $_tile_overlayer_lowered  }
0x9b: {  	s22 =	simm.s32 $0x1BFF;
	s21 =	sshll.u32 s5, $0x1;
	s2 =	sadd.s32 s19, s18  }
0x9c: {  	s6 =	simm.s32 $0x0;
	s20 =	sshll.u32 s4, $0x1;
	s4 =	sadd.s32 s21, s2  }
0x9d: {  	[timem:s6], [sflag:s22] =	dma.local [hbm:s4], s20  }
0x9e: {  	_ =	swait.ge [sflag:s22], s20  }
0x9f: {  	s3 =	ssub.s32 $0x0, s20;
	[sflag:s22] =	ssyncset.done $0x0  }
0xa0: {  	[sflag:s22] =	ssyncadd.s32 s3;
	_ =	sdelay $0x1  }
0xa1: {  	s23 =	simm.s32 $0x1B8B  }
0xa2: {  	_ =	swait.ge [sflag:s23], $0x1  }
0xa3: {  	[sflag:s23] =	ssyncset.done $0x0  }
0xa4: {  	s25 =	simm.s32 $0x1B8E;
	s24 =	sld [smem:$0x3FFE];
	[sflag:s23] =	ssyncadd.s32 $0xFFFFFFFF  }
0xa5: {  	s26 =	simm.s32 $execute0_lowered;
	[smem:$0x3FD2] =	sst s25  }
0xa6: {  	s4 =	sshll.u32 s26, $0x1;
	_ =	strace $0x80000046;
	[dreg:$0x1] =	wrdreg $0xFFFFFFFF  }
0xa7: {  	s28 =	simm.s32 $_size_execute0_lowered;
	s2 =	sadd.s32 s2, s4;
	[dreg:$0x0] =	wrdreg $0x0  }
0xa8: {  	s4 =	sshll.u32 s28, $0x1;
	[dreg:$0x2] =	wrdreg s2  }
0xa9: {  	[dreg:$0x3] =	wrdreg s4  }
0xaa: {  	[dreg:$0x4] =	wrdreg $0xC0  }
0xab: {  	_ =	task [dreg:s6], $0x5FFFF  }
0xac: {  	[dreg:$0x1] =	wrdreg $0xFFFFFFFF  }
0xad: {  	[dreg:$0x0] =	wrdreg $0x60  }
0xae: {  	[dreg:$0x2] =	wrdreg s24  }
0xaf: {  	[dreg:$0x3] =	wrdreg $0xC0800  }
0xb0: {  	[dreg:$0x4] =	wrdreg $0x9  }
0xb1: {  	_ =	task.clear_ibuf [dreg:s6], $0x5FFFF;
	_ =	strace $0x90000046  }
0xb2: {  	s29 =	simm.s32 $0x9;
	_ =	strace $0x80000048  }
0xb3: {  	_ =	swait.ge [sflag:s29], $0x1  }
0xb4: {  	[sflag:s29] =	ssyncadd.s32 $0xFFFFFFFF  }
0xb5: {  	_ =	strace $0x90000048  }
0xb6: {  	_ =	sfence  }
0xb7: {  	s30 =	sld [smem:$0x0];
	_ =	sdelay $0x2  }
0xb8: {  	s31 =	sshll.u32 s1, $0xD;
	s1 =	sshrl.u32 s1, $0x2  }
0xb9: {  	s3 =	sand.u32 $0x4000, s31;
	s1 =	sadd.s32 s1, s30  }
0xba: {  	s0 =	sor.u32 s3, s0;
	s1 =	sshll.u32 s1, $0x11  }
0xbb: {  	s0 =	sor.u32 s1, s0  }
0xbc: {  	s0 =	sadd.s32 $0x8F2B, s0  }
0xbd: {  	[sflag:s0] =	ssyncadd.remote.s32 $0x1  }
0xbe: {  	_ =	sfence.sel $0xFFFF  }
0xbf: {  	[dreg:$0x0] =	wrdreg $0xFFFFFFFF;
	(pc) =	sbr.abs _section_cstart, $3  }
0xc0: {  	[dreg:$0x1] =	wrdreg $0xFFFFFFFF  }
0xc1: {  	_ =	task.clear_ibuf [dreg:s6], $0x2FFFF;
	_ =	strace $0x9FFFFFFF  }
0xc2: {  	(tm) =	ssettm $0x7FFFFFFF  }
0xc3: {  	_ =	shalt  }
tec
execute0_lowered:
.L_overlay_start_1:
0x0: {  	(tag) =	ssettag $0x1  }
0x1: {  	s3 =	rddreg [dreg:$0x0]  }
0x2: {  	s12 =	rddreg [dreg:$0x1]  }
0x3: {  	s0 =	rddreg [dreg:$0x2]  }
0x4: {  	s2 =	simm.s32 $0x0;
	s4 =	srdreg.scid;
	s1 =	stileid.u32  }
0x5: {  	s17 =	simm.s32 $0x8000;
	s18 =	simm.s32 $0x80;
	s19 =	simm.s32 $0x400  }
0x6: {  	s20 =	simm.s32 $0x2;
	s21 =	simm.s32 $0xC000;
	s22 =	simm.s32 $0x0  }
0x7: {  	[smem:$0x7FF] =	sst s2;
	s4 =	sand.u32 $0x1, s4;
	s5 =	sshll.u32 s1, $0x7  }
0x8: {  	s9 =	sshll.u32 s1, $0xE;
	_ =	strace $0x80000047;
	s6 =	sshll.u32 s4, $0xB  }
0x9: {  	s7 =	sand.u32 $0x400, s5;
	s8 =	sshll.u32 s4, $0x12;
	s11 =	sand.u32 $0x380, s5  }
0xa: {  	s4 =	ssub.s32 $0x2, s4;
	s15 =	sand.u32 $0x20000, s9;
	s29 =	sor.u32 s6, s7  }
0xb: {  	s30 =	sor.u32 s9, s8;
	s31 =	sshrl.u32 s4, $0x1;
	s16 =	sor.u32 s15, s11  }
0xc: {  	s15 =	sadd.s32 s15, s12;
	s5 =	sor.u32 s11, s29;
	s10 =	sadd.s32 s30, s3  }
0xd: {  	s14 =	ssub.s32 s4, s31;
	s16 =	sxor.u32 $0x80, s16;
	s11 =	sadd.s32 s11, s15  }
0xe: {  	s15 =	simm.s32 $0x4000;
	s5 =	sshrl.u32 s5, $0x3;
	s4 =	sadd.s32 $0xE00, s10  }
0xf: {  	v0 =	vlaneseq.u32;
	s6 =	sadd.s32 $0x1E00, s10;
	s7 =	sadd.s32 $0x2600, s10;
	s8 =	sadd.s32 $0x2E00, s10  }
0x10: {  	v2 =	vmul.u32 $0xFFFFFFFF, v0;
	s9 =	sadd.s32 $0x3600, s10;
	s12 =	sadd.s32 s16, s12;
	s14 =	smax.u32 s14, $0x1  }
0x11: {  	s16 =	simm.s32 $0x1;
	s13 =	sadd.s32 s5, s3;
	s3 =	sadd.s32 $0x600, s10  }
0x12: {  	v1 =	vimm.s32 $0x1;
	v0 =	vimm.s32 $0x0;
	v2 =	vadd.s32 $0xF, v2;
	s5 =	sadd.s32 $0x1600, s10;
	s10 =	sadd.s32 $0x3E00, s10;
	s13 =	sadd.s32 $0x80600, s13  }
.LBB2_1:
0x13: {  	s23 =	simm.s32 $0x8040  }
0x14: {  	[tilespmem:s23+$0xFFFFFFC0] =	vst v0  }
0x15: {  	[tilespmem:s23+$0x30] =	vst v0  }
0x16: {  	[tilespmem:s23+$0x20] =	vst v0  }
0x17: {  	[tilespmem:s23+$0x10] =	vst v0  }
0x18: {  	[tilespmem:s23+$0x0] =	vst v0  }
0x19: {  	[tilespmem:s23+$0xFFFFFFF0] =	vst v0  }
0x1a: {  	s24 =	simm.s32 $0x0;
	[tilespmem:s23+$0xFFFFFFE0] =	vst v0  }
.LBB2_2:
0x1b: {  	s24 =	sadd.s32 $0x8, s24;
	[tilespmem:s23+$0xFFFFFFD0] =	vst v0;
	s23 =	sadd.s32 $0x80, s23  }
0x1c: {  	[tilespmem:s23+$0xFFFFFFC0] =	vst v0;
	p0 =	slt.u32 s24, $0x3F8  }
0x1d: {  	[tilespmem:s23+$0x30] =	vst v0  }
.Ltmp0:
0x1e: {  	[tilespmem:s23+$0x20] =	vst v0;
	(pc) =	sbr.rel @p0 .LBB2_2-.Ltmp0, $4  }
0x1f: {  	[tilespmem:s23+$0x10] =	vst v0  }
0x20: {  	[tilespmem:s23+$0x0] =	vst v0  }
0x21: {  	[tilespmem:s23+$0xFFFFFFF0] =	vst v0  }
0x22: {  	[tilespmem:s23+$0xFFFFFFE0] =	vst v0  }
0x23: {  	[tilespmem:s23+$0xFFFFFFD0] =	vst v0  }
0x24: {  	[tilespmem:s2], [sflag:$0x1] =	stream.linear.gather [hbm4b:s3+s2], $0x4000, $0x38;
	[tilespmem:$0x10080] =	vst v63  }
0x25: {  	_ = 	snop  }
0x26: {  	[tilespmem:s15], [sflag:$0x1] =	stream.linear.gather [hbm4b:s4+s2], $0x4000, $0x38;
	[tilespmem:$0x10080] =	vst v63  }
0x27: {  	_ =	swait.ge [sflag:s16], $0x4000  }
0x28: {  	[sflag:s16] =	ssyncset.done $0x0  }
0x29: {  	s31 =	simm.s32 $0x40;
	[sflag:s16] =	ssyncadd.s32 $0xFFFFC000  }
0x2a: {  	v3 =	vld [tilespmem:s31+$0x30]  }
0x2b: {  	v4 =	vld [tilespmem:s31+$0xFFFFFFD0]  }
0x2c: {  	v5 =	vld [tilespmem:s31+$0xFFFFFFE0]  }
0x2d: {  	v6 =	vld [tilespmem:s31+$0xFFFFFFF0]  }
0x2e: {  	v7 =	vld [tilespmem:s31+$0x0]  }
0x2f: {  	v8 =	vld [tilespmem:s31+$0x10];
	v3 =	vshra.s32 v3, $0x10  }
0x30: {  	v4 =	vshra.s32 v4, $0x10  }
0x31: {  	v5 =	vshra.s32 v5, $0x10  }
0x32: {  	v9 =	vld [tilespmem:s31+$0x20];
	v6 =	vshra.s32 v6, $0x10  }
0x33: {  	v10 =	vld [tilespmem:s31+$0xFFFFFFC0];
	v7 =	vshra.s32 v7, $0x10  }
0x34: {  	v8 =	vshra.s32 v8, $0x10;
	[tilespmem:v3+s17+$0x0] =	vst.idx.add.s32.msk $0xffff, v1  }
0x35: {  	[tilespmem:v4+s17+$0x0] =	vst.idx.add.s32.msk $0xffff, v1  }
0x36: {  	[tilespmem:v5+s17+$0x0] =	vst.idx.add.s32.msk $0xffff, v1  }
0x37: {  	[tilespmem:v6+s17+$0x0] =	vst.idx.add.s32.msk $0xffff, v1  }
0x38: {  	[tilespmem:v7+s17+$0x0] =	vst.idx.add.s32.msk $0xffff, v1  }
0x39: {  	s23 =	simm.s32 $0x0;
	s24 =	simm.s32 $0xC0;
	v3 =	vshra.s32 v9, $0x10;
	v4 =	vshra.s32 v10, $0x10;
	[tilespmem:v8+s17+$0x0] =	vst.idx.add.s32.msk $0xffff, v1  }
.LBB2_4:
0x3a: {  	v5 =	vld [tilespmem:s24+$0x30];
	s23 =	sadd.s32 $0x8, s23  }
0x3b: {  	v6 =	vld [tilespmem:s24+$0xFFFFFFD0];
	p0 =	slt.u32 s23, $0x3F8  }
0x3c: {  	v7 =	vld [tilespmem:s24+$0xFFFFFFE0]  }
0x3d: {  	v8 =	vld [tilespmem:s24+$0xFFFFFFF0]  }
0x3e: {  	v9 =	vld [tilespmem:s24+$0x0]  }
0x3f: {  	v10 =	vld [tilespmem:s24+$0x10];
	v5 =	vshra.s32 v5, $0x10  }
0x40: {  	v6 =	vshra.s32 v6, $0x10;
	v11 =	vld [tilespmem:s24+$0x20]  }
0x41: {  	v12 =	vld [tilespmem:s24+$0xFFFFFFC0];
	v7 =	vshra.s32 v7, $0x10  }
0x42: {  	v8 =	vshra.s32 v8, $0x10;
	[tilespmem:v4+s17+$0x0] =	vst.idx.add.s32.msk $0xffff, v1  }
0x43: {  	v9 =	vshra.s32 v9, $0x10;
	[tilespmem:v3+s17+$0x0] =	vst.idx.add.s32.msk $0xffff, v1  }
0x44: {  	v10 =	vshra.s32 v10, $0x10;
	[tilespmem:v5+s17+$0x0] =	vst.idx.add.s32.msk $0xffff, v1  }
.Ltmp1:
0x45: {  	[tilespmem:v6+s17+$0x0] =	vst.idx.add.s32.msk $0xffff, v1;
	v3 =	vshra.s32 v11, $0x10;
	(pc) =	sbr.rel @p0 .LBB2_4-.Ltmp1, $4  }
0x46: {  	v4 =	vshra.s32 v12, $0x10;
	[tilespmem:v7+s17+$0x0] =	vst.idx.add.s32.msk $0xffff, v1  }
0x47: {  	[tilespmem:v8+s17+$0x0] =	vst.idx.add.s32.msk $0xffff, v1  }
0x48: {  	[tilespmem:v9+s17+$0x0] =	vst.idx.add.s32.msk $0xffff, v1  }
0x49: {  	s24 =	sadd.s32 $0x80, s24;
	[tilespmem:v10+s17+$0x0] =	vst.idx.add.s32.msk $0xffff, v1  }
0x4a: {  	_ =	sdelay $0x3  }
0x4b: {  	[tilespmem:v4+s17+$0x0] =	vst.idx.add.s32.msk $0xffff, v1  }
0x4c: {  	[tilespmem:v3+s17+$0x0] =	vst.idx.add.s32.msk $0xffff, v1  }
0x4d: {  	[tilespmem:s2], [sflag:$0x1] =	stream.linear.gather [hbm4b:s5+s2], $0x4000, $0x38;
	[tilespmem:$0x10080] =	vst v63  }
0x4e: {  	_ =	swait.ge [sflag:s16], $0x4000  }
0x4f: {  	[sflag:s16] =	ssyncset.done $0x0  }
0x50: {  	s23 =	simm.s32 $0x4040;
	[sflag:s16] =	ssyncadd.s32 $0xFFFFC000  }
0x51: {  	v3 =	vld [tilespmem:s23+$0x30]  }
0x52: {  	v4 =	vld [tilespmem:s23+$0xFFFFFFD0]  }
0x53: {  	v5 =	vld [tilespmem:s23+$0xFFFFFFE0]  }
0x54: {  	v6 =	vld [tilespmem:s23+$0xFFFFFFF0]  }
0x55: {  	v7 =	vld [tilespmem:s23+$0x0]  }
0x56: {  	v8 =	vld [tilespmem:s23+$0x10];
	v3 =	vshra.s32 v3, $0x10  }
0x57: {  	v4 =	vshra.s32 v4, $0x10  }
0x58: {  	v5 =	vshra.s32 v5, $0x10  }
0x59: {  	v9 =	vld [tilespmem:s23+$0x20];
	v6 =	vshra.s32 v6, $0x10  }
0x5a: {  	v10 =	vld [tilespmem:s23+$0xFFFFFFC0];
	v7 =	vshra.s32 v7, $0x10  }
0x5b: {  	v8 =	vshra.s32 v8, $0x10;
	[tilespmem:v3+s17+$0x0] =	vst.idx.add.s32.msk $0xffff, v1  }
0x5c: {  	[tilespmem:v4+s17+$0x0] =	vst.idx.add.s32.msk $0xffff, v1  }
0x5d: {  	[tilespmem:v5+s17+$0x0] =	vst.idx.add.s32.msk $0xffff, v1  }
0x5e: {  	[tilespmem:v6+s17+$0x0] =	vst.idx.add.s32.msk $0xffff, v1  }
0x5f: {  	[tilespmem:v7+s17+$0x0] =	vst.idx.add.s32.msk $0xffff, v1  }
0x60: {  	s24 =	simm.s32 $0x40C0;
	s23 =	simm.s32 $0x0;
	v3 =	vshra.s32 v9, $0x10;
	v4 =	vshra.s32 v10, $0x10;
	[tilespmem:v8+s17+$0x0] =	vst.idx.add.s32.msk $0xffff, v1  }
.LBB2_6:
0x61: {  	v5 =	vld [tilespmem:s24+$0x30];
	s23 =	sadd.s32 $0x8, s23  }
0x62: {  	v6 =	vld [tilespmem:s24+$0xFFFFFFD0];
	p0 =	slt.u32 s23, $0x3F8  }
0x63: {  	v7 =	vld [tilespmem:s24+$0xFFFFFFE0]  }
0x64: {  	v8 =	vld [tilespmem:s24+$0xFFFFFFF0]  }
0x65: {  	v9 =	vld [tilespmem:s24+$0x0]  }
0x66: {  	v10 =	vld [tilespmem:s24+$0x10];
	v5 =	vshra.s32 v5, $0x10  }
0x67: {  	v6 =	vshra.s32 v6, $0x10;
	v11 =	vld [tilespmem:s24+$0x20]  }
0x68: {  	v12 =	vld [tilespmem:s24+$0xFFFFFFC0];
	v7 =	vshra.s32 v7, $0x10  }
0x69: {  	v8 =	vshra.s32 v8, $0x10;
	[tilespmem:v4+s17+$0x0] =	vst.idx.add.s32.msk $0xffff, v1  }
0x6a: {  	v9 =	vshra.s32 v9, $0x10;
	[tilespmem:v3+s17+$0x0] =	vst.idx.add.s32.msk $0xffff, v1  }
0x6b: {  	v10 =	vshra.s32 v10, $0x10;
	[tilespmem:v5+s17+$0x0] =	vst.idx.add.s32.msk $0xffff, v1  }
.Ltmp2:
0x6c: {  	[tilespmem:v6+s17+$0x0] =	vst.idx.add.s32.msk $0xffff, v1;
	v3 =	vshra.s32 v11, $0x10;
	(pc) =	sbr.rel @p0 .LBB2_6-.Ltmp2, $4  }
0x6d: {  	v4 =	vshra.s32 v12, $0x10;
	[tilespmem:v7+s17+$0x0] =	vst.idx.add.s32.msk $0xffff, v1  }
0x6e: {  	[tilespmem:v8+s17+$0x0] =	vst.idx.add.s32.msk $0xffff, v1  }
0x6f: {  	[tilespmem:v9+s17+$0x0] =	vst.idx.add.s32.msk $0xffff, v1  }
0x70: {  	s24 =	sadd.s32 $0x80, s24;
	[tilespmem:v10+s17+$0x0] =	vst.idx.add.s32.msk $0xffff, v1  }
0x71: {  	_ =	sdelay $0x3  }
0x72: {  	[tilespmem:v4+s17+$0x0] =	vst.idx.add.s32.msk $0xffff, v1  }
0x73: {  	[tilespmem:v3+s17+$0x0] =	vst.idx.add.s32.msk $0xffff, v1  }
0x74: {  	[tilespmem:s15], [sflag:$0x1] =	stream.linear.gather [hbm4b:s6+s2], $0x4000, $0x38;
	[tilespmem:$0x10080] =	vst v63  }
0x75: {  	_ =	swait.ge [sflag:s16], $0x4000  }
0x76: {  	[sflag:s16] =	ssyncset.done $0x0  }
0x77: {  	s23 =	simm.s32 $0x40;
	[sflag:s16] =	ssyncadd.s32 $0xFFFFC000  }
0x78: {  	v3 =	vld [tilespmem:s23+$0x30]  }
0x79: {  	v4 =	vld [tilespmem:s23+$0xFFFFFFD0]  }
0x7a: {  	v5 =	vld [tilespmem:s23+$0xFFFFFFE0]  }
0x7b: {  	v6 =	vld [tilespmem:s23+$0xFFFFFFF0]  }
0x7c: {  	v7 =	vld [tilespmem:s23+$0x0]  }
0x7d: {  	v8 =	vld [tilespmem:s23+$0x10];
	v3 =	vshra.s32 v3, $0x10  }
0x7e: {  	v4 =	vshra.s32 v4, $0x10  }
0x7f: {  	v5 =	vshra.s32 v5, $0x10  }
0x80: {  	v9 =	vld [tilespmem:s23+$0x20];
	v6 =	vshra.s32 v6, $0x10  }
0x81: {  	v10 =	vld [tilespmem:s23+$0xFFFFFFC0];
	v7 =	vshra.s32 v7, $0x10  }
0x82: {  	v8 =	vshra.s32 v8, $0x10;
	[tilespmem:v3+s17+$0x0] =	vst.idx.add.s32.msk $0xffff, v1  }
0x83: {  	[tilespmem:v4+s17+$0x0] =	vst.idx.add.s32.msk $0xffff, v1  }
0x84: {  	[tilespmem:v5+s17+$0x0] =	vst.idx.add.s32.msk $0xffff, v1  }
0x85: {  	[tilespmem:v6+s17+$0x0] =	vst.idx.add.s32.msk $0xffff, v1  }
0x86: {  	[tilespmem:v7+s17+$0x0] =	vst.idx.add.s32.msk $0xffff, v1  }
0x87: {  	s24 =	simm.s32 $0xC0;
	s23 =	simm.s32 $0x0;
	v3 =	vshra.s32 v9, $0x10;
	v4 =	vshra.s32 v10, $0x10;
	[tilespmem:v8+s17+$0x0] =	vst.idx.add.s32.msk $0xffff, v1  }
.LBB2_8:
0x88: {  	v5 =	vld [tilespmem:s24+$0x30];
	s23 =	sadd.s32 $0x8, s23  }
0x89: {  	v6 =	vld [tilespmem:s24+$0xFFFFFFD0];
	p0 =	slt.u32 s23, $0x3F8  }
0x8a: {  	v7 =	vld [tilespmem:s24+$0xFFFFFFE0]  }
0x8b: {  	v8 =	vld [tilespmem:s24+$0xFFFFFFF0]  }
0x8c: {  	v9 =	vld [tilespmem:s24+$0x0]  }
0x8d: {  	v10 =	vld [tilespmem:s24+$0x10];
	v5 =	vshra.s32 v5, $0x10  }
0x8e: {  	v6 =	vshra.s32 v6, $0x10;
	v11 =	vld [tilespmem:s24+$0x20]  }
0x8f: {  	v12 =	vld [tilespmem:s24+$0xFFFFFFC0];
	v7 =	vshra.s32 v7, $0x10  }
0x90: {  	v8 =	vshra.s32 v8, $0x10;
	[tilespmem:v4+s17+$0x0] =	vst.idx.add.s32.msk $0xffff, v1  }
0x91: {  	v9 =	vshra.s32 v9, $0x10;
	[tilespmem:v3+s17+$0x0] =	vst.idx.add.s32.msk $0xffff, v1  }
0x92: {  	v10 =	vshra.s32 v10, $0x10;
	[tilespmem:v5+s17+$0x0] =	vst.idx.add.s32.msk $0xffff, v1  }
.Ltmp3:
0x93: {  	[tilespmem:v6+s17+$0x0] =	vst.idx.add.s32.msk $0xffff, v1;
	v3 =	vshra.s32 v11, $0x10;
	(pc) =	sbr.rel @p0 .LBB2_8-.Ltmp3, $4  }
0x94: {  	v4 =	vshra.s32 v12, $0x10;
	[tilespmem:v7+s17+$0x0] =	vst.idx.add.s32.msk $0xffff, v1  }
0x95: {  	[tilespmem:v8+s17+$0x0] =	vst.idx.add.s32.msk $0xffff, v1  }
0x96: {  	[tilespmem:v9+s17+$0x0] =	vst.idx.add.s32.msk $0xffff, v1  }
0x97: {  	s24 =	sadd.s32 $0x80, s24;
	[tilespmem:v10+s17+$0x0] =	vst.idx.add.s32.msk $0xffff, v1  }
0x98: {  	_ =	sdelay $0x3  }
0x99: {  	[tilespmem:v4+s17+$0x0] =	vst.idx.add.s32.msk $0xffff, v1  }
0x9a: {  	[tilespmem:v3+s17+$0x0] =	vst.idx.add.s32.msk $0xffff, v1  }
0x9b: {  	[tilespmem:s2], [sflag:$0x1] =	stream.linear.gather [hbm4b:s7+s2], $0x4000, $0x38;
	[tilespmem:$0x10080] =	vst v63  }
0x9c: {  	_ =	swait.ge [sflag:s16], $0x4000  }
0x9d: {  	[sflag:s16] =	ssyncset.done $0x0  }
0x9e: {  	s23 =	simm.s32 $0x4040;
	[sflag:s16] =	ssyncadd.s32 $0xFFFFC000  }
0x9f: {  	v3 =	vld [tilespmem:s23+$0x30]  }
0xa0: {  	v4 =	vld [tilespmem:s23+$0xFFFFFFD0]  }
0xa1: {  	v5 =	vld [tilespmem:s23+$0xFFFFFFE0]  }
0xa2: {  	v6 =	vld [tilespmem:s23+$0xFFFFFFF0]  }
0xa3: {  	v7 =	vld [tilespmem:s23+$0x0]  }
0xa4: {  	v8 =	vld [tilespmem:s23+$0x10];
	v3 =	vshra.s32 v3, $0x10  }
0xa5: {  	v4 =	vshra.s32 v4, $0x10  }
0xa6: {  	v5 =	vshra.s32 v5, $0x10  }
0xa7: {  	v9 =	vld [tilespmem:s23+$0x20];
	v6 =	vshra.s32 v6, $0x10  }
0xa8: {  	v10 =	vld [tilespmem:s23+$0xFFFFFFC0];
	v7 =	vshra.s32 v7, $0x10  }
0xa9: {  	v8 =	vshra.s32 v8, $0x10;
	[tilespmem:v3+s17+$0x0] =	vst.idx.add.s32.msk $0xffff, v1  }
0xaa: {  	[tilespmem:v4+s17+$0x0] =	vst.idx.add.s32.msk $0xffff, v1  }
0xab: {  	[tilespmem:v5+s17+$0x0] =	vst.idx.add.s32.msk $0xffff, v1  }
0xac: {  	[tilespmem:v6+s17+$0x0] =	vst.idx.add.s32.msk $0xffff, v1  }
0xad: {  	[tilespmem:v7+s17+$0x0] =	vst.idx.add.s32.msk $0xffff, v1  }
0xae: {  	s24 =	simm.s32 $0x40C0;
	s23 =	simm.s32 $0x0;
	v3 =	vshra.s32 v9, $0x10;
	v4 =	vshra.s32 v10, $0x10;
	[tilespmem:v8+s17+$0x0] =	vst.idx.add.s32.msk $0xffff, v1  }
.LBB2_10:
0xaf: {  	v5 =	vld [tilespmem:s24+$0x30];
	s23 =	sadd.s32 $0x8, s23  }
0xb0: {  	v6 =	vld [tilespmem:s24+$0xFFFFFFD0];
	p0 =	slt.u32 s23, $0x3F8  }
0xb1: {  	v7 =	vld [tilespmem:s24+$0xFFFFFFE0]  }
0xb2: {  	v8 =	vld [tilespmem:s24+$0xFFFFFFF0]  }
0xb3: {  	v9 =	vld [tilespmem:s24+$0x0]  }
0xb4: {  	v10 =	vld [tilespmem:s24+$0x10];
	v5 =	vshra.s32 v5, $0x10  }
0xb5: {  	v6 =	vshra.s32 v6, $0x10;
	v11 =	vld [tilespmem:s24+$0x20]  }
0xb6: {  	v12 =	vld [tilespmem:s24+$0xFFFFFFC0];
	v7 =	vshra.s32 v7, $0x10  }
0xb7: {  	v8 =	vshra.s32 v8, $0x10;
	[tilespmem:v4+s17+$0x0] =	vst.idx.add.s32.msk $0xffff, v1  }
0xb8: {  	v9 =	vshra.s32 v9, $0x10;
	[tilespmem:v3+s17+$0x0] =	vst.idx.add.s32.msk $0xffff, v1  }
0xb9: {  	v10 =	vshra.s32 v10, $0x10;
	[tilespmem:v5+s17+$0x0] =	vst.idx.add.s32.msk $0xffff, v1  }
.Ltmp4:
0xba: {  	[tilespmem:v6+s17+$0x0] =	vst.idx.add.s32.msk $0xffff, v1;
	v3 =	vshra.s32 v11, $0x10;
	(pc) =	sbr.rel @p0 .LBB2_10-.Ltmp4, $4  }
0xbb: {  	v4 =	vshra.s32 v12, $0x10;
	[tilespmem:v7+s17+$0x0] =	vst.idx.add.s32.msk $0xffff, v1  }
0xbc: {  	[tilespmem:v8+s17+$0x0] =	vst.idx.add.s32.msk $0xffff, v1  }
0xbd: {  	[tilespmem:v9+s17+$0x0] =	vst.idx.add.s32.msk $0xffff, v1  }
0xbe: {  	s24 =	sadd.s32 $0x80, s24;
	[tilespmem:v10+s17+$0x0] =	vst.idx.add.s32.msk $0xffff, v1  }
0xbf: {  	_ =	sdelay $0x3  }
0xc0: {  	[tilespmem:v4+s17+$0x0] =	vst.idx.add.s32.msk $0xffff, v1  }
0xc1: {  	[tilespmem:v3+s17+$0x0] =	vst.idx.add.s32.msk $0xffff, v1  }
0xc2: {  	[tilespmem:s15], [sflag:$0x1] =	stream.linear.gather [hbm4b:s8+s2], $0x4000, $0x38;
	[tilespmem:$0x10080] =	vst v63  }
0xc3: {  	_ =	swait.ge [sflag:s16], $0x4000  }
0xc4: {  	[sflag:s16] =	ssyncset.done $0x0  }
0xc5: {  	s23 =	simm.s32 $0x40;
	[sflag:s16] =	ssyncadd.s32 $0xFFFFC000  }
0xc6: {  	v3 =	vld [tilespmem:s23+$0x30]  }
0xc7: {  	v4 =	vld [tilespmem:s23+$0xFFFFFFD0]  }
0xc8: {  	v5 =	vld [tilespmem:s23+$0xFFFFFFE0]  }
0xc9: {  	v6 =	vld [tilespmem:s23+$0xFFFFFFF0]  }
0xca: {  	v7 =	vld [tilespmem:s23+$0x0]  }
0xcb: {  	v8 =	vld [tilespmem:s23+$0x10];
	v3 =	vshra.s32 v3, $0x10  }
0xcc: {  	v4 =	vshra.s32 v4, $0x10  }
0xcd: {  	v5 =	vshra.s32 v5, $0x10  }
0xce: {  	v9 =	vld [tilespmem:s23+$0x20];
	v6 =	vshra.s32 v6, $0x10  }
0xcf: {  	v10 =	vld [tilespmem:s23+$0xFFFFFFC0];
	v7 =	vshra.s32 v7, $0x10  }
0xd0: {  	v8 =	vshra.s32 v8, $0x10;
	[tilespmem:v3+s17+$0x0] =	vst.idx.add.s32.msk $0xffff, v1  }
0xd1: {  	[tilespmem:v4+s17+$0x0] =	vst.idx.add.s32.msk $0xffff, v1  }
0xd2: {  	[tilespmem:v5+s17+$0x0] =	vst.idx.add.s32.msk $0xffff, v1  }
0xd3: {  	[tilespmem:v6+s17+$0x0] =	vst.idx.add.s32.msk $0xffff, v1  }
0xd4: {  	[tilespmem:v7+s17+$0x0] =	vst.idx.add.s32.msk $0xffff, v1  }
0xd5: {  	s24 =	simm.s32 $0xC0;
	s23 =	simm.s32 $0x0;
	v3 =	vshra.s32 v9, $0x10;
	v4 =	vshra.s32 v10, $0x10;
	[tilespmem:v8+s17+$0x0] =	vst.idx.add.s32.msk $0xffff, v1  }
.LBB2_12:
0xd6: {  	v5 =	vld [tilespmem:s24+$0x30];
	s23 =	sadd.s32 $0x8, s23  }
0xd7: {  	v6 =	vld [tilespmem:s24+$0xFFFFFFD0];
	p0 =	slt.u32 s23, $0x3F8  }
0xd8: {  	v7 =	vld [tilespmem:s24+$0xFFFFFFE0]  }
0xd9: {  	v8 =	vld [tilespmem:s24+$0xFFFFFFF0]  }
0xda: {  	v9 =	vld [tilespmem:s24+$0x0]  }
0xdb: {  	v10 =	vld [tilespmem:s24+$0x10];
	v5 =	vshra.s32 v5, $0x10  }
0xdc: {  	v6 =	vshra.s32 v6, $0x10;
	v11 =	vld [tilespmem:s24+$0x20]  }
0xdd: {  	v12 =	vld [tilespmem:s24+$0xFFFFFFC0];
	v7 =	vshra.s32 v7, $0x10  }
0xde: {  	v8 =	vshra.s32 v8, $0x10;
	[tilespmem:v4+s17+$0x0] =	vst.idx.add.s32.msk $0xffff, v1  }
0xdf: {  	v9 =	vshra.s32 v9, $0x10;
	[tilespmem:v3+s17+$0x0] =	vst.idx.add.s32.msk $0xffff, v1  }
0xe0: {  	v10 =	vshra.s32 v10, $0x10;
	[tilespmem:v5+s17+$0x0] =	vst.idx.add.s32.msk $0xffff, v1  }
.Ltmp5:
0xe1: {  	[tilespmem:v6+s17+$0x0] =	vst.idx.add.s32.msk $0xffff, v1;
	v3 =	vshra.s32 v11, $0x10;
	(pc) =	sbr.rel @p0 .LBB2_12-.Ltmp5, $4  }
0xe2: {  	v4 =	vshra.s32 v12, $0x10;
	[tilespmem:v7+s17+$0x0] =	vst.idx.add.s32.msk $0xffff, v1  }
0xe3: {  	[tilespmem:v8+s17+$0x0] =	vst.idx.add.s32.msk $0xffff, v1  }
0xe4: {  	[tilespmem:v9+s17+$0x0] =	vst.idx.add.s32.msk $0xffff, v1  }
0xe5: {  	s24 =	sadd.s32 $0x80, s24;
	[tilespmem:v10+s17+$0x0] =	vst.idx.add.s32.msk $0xffff, v1  }
0xe6: {  	_ =	sdelay $0x3  }
0xe7: {  	[tilespmem:v4+s17+$0x0] =	vst.idx.add.s32.msk $0xffff, v1  }
0xe8: {  	[tilespmem:v3+s17+$0x0] =	vst.idx.add.s32.msk $0xffff, v1  }
0xe9: {  	[tilespmem:s2], [sflag:$0x1] =	stream.linear.gather [hbm4b:s9+s2], $0x4000, $0x38;
	[tilespmem:$0x10080] =	vst v63  }
0xea: {  	_ =	swait.ge [sflag:s16], $0x4000  }
0xeb: {  	[sflag:s16] =	ssyncset.done $0x0  }
0xec: {  	s23 =	simm.s32 $0x4040;
	[sflag:s16] =	ssyncadd.s32 $0xFFFFC000  }
0xed: {  	v3 =	vld [tilespmem:s23+$0x30]  }
0xee: {  	v4 =	vld [tilespmem:s23+$0xFFFFFFD0]  }
0xef: {  	v5 =	vld [tilespmem:s23+$0xFFFFFFE0]  }
0xf0: {  	v6 =	vld [tilespmem:s23+$0xFFFFFFF0]  }
0xf1: {  	v7 =	vld [tilespmem:s23+$0x0]  }
0xf2: {  	v8 =	vld [tilespmem:s23+$0x10];
	v3 =	vshra.s32 v3, $0x10  }
0xf3: {  	v4 =	vshra.s32 v4, $0x10  }
0xf4: {  	v5 =	vshra.s32 v5, $0x10  }
0xf5: {  	v9 =	vld [tilespmem:s23+$0x20];
	v6 =	vshra.s32 v6, $0x10  }
0xf6: {  	v10 =	vld [tilespmem:s23+$0xFFFFFFC0];
	v7 =	vshra.s32 v7, $0x10  }
0xf7: {  	v8 =	vshra.s32 v8, $0x10;
	[tilespmem:v3+s17+$0x0] =	vst.idx.add.s32.msk $0xffff, v1  }
0xf8: {  	[tilespmem:v4+s17+$0x0] =	vst.idx.add.s32.msk $0xffff, v1  }
0xf9: {  	[tilespmem:v5+s17+$0x0] =	vst.idx.add.s32.msk $0xffff, v1  }
0xfa: {  	[tilespmem:v6+s17+$0x0] =	vst.idx.add.s32.msk $0xffff, v1  }
0xfb: {  	[tilespmem:v7+s17+$0x0] =	vst.idx.add.s32.msk $0xffff, v1  }
0xfc: {  	s24 =	simm.s32 $0x40C0;
	s23 =	simm.s32 $0x0;
	v3 =	vshra.s32 v9, $0x10;
	v4 =	vshra.s32 v10, $0x10;
	[tilespmem:v8+s17+$0x0] =	vst.idx.add.s32.msk $0xffff, v1  }
.LBB2_14:
0xfd: {  	v5 =	vld [tilespmem:s24+$0x30];
	s23 =	sadd.s32 $0x8, s23  }
0xfe: {  	v6 =	vld [tilespmem:s24+$0xFFFFFFD0];
	p0 =	slt.u32 s23, $0x3F8  }
0xff: {  	v7 =	vld [tilespmem:s24+$0xFFFFFFE0]  }
0x100: {  	v8 =	vld [tilespmem:s24+$0xFFFFFFF0]  }
0x101: {  	v9 =	vld [tilespmem:s24+$0x0]  }
0x102: {  	v10 =	vld [tilespmem:s24+$0x10];
	v5 =	vshra.s32 v5, $0x10  }
0x103: {  	v6 =	vshra.s32 v6, $0x10;
	v11 =	vld [tilespmem:s24+$0x20]  }
0x104: {  	v12 =	vld [tilespmem:s24+$0xFFFFFFC0];
	v7 =	vshra.s32 v7, $0x10  }
0x105: {  	v8 =	vshra.s32 v8, $0x10;
	[tilespmem:v4+s17+$0x0] =	vst.idx.add.s32.msk $0xffff, v1  }
0x106: {  	v9 =	vshra.s32 v9, $0x10;
	[tilespmem:v3+s17+$0x0] =	vst.idx.add.s32.msk $0xffff, v1  }
0x107: {  	v10 =	vshra.s32 v10, $0x10;
	[tilespmem:v5+s17+$0x0] =	vst.idx.add.s32.msk $0xffff, v1  }
.Ltmp6:
0x108: {  	[tilespmem:v6+s17+$0x0] =	vst.idx.add.s32.msk $0xffff, v1;
	v3 =	vshra.s32 v11, $0x10;
	(pc) =	sbr.rel @p0 .LBB2_14-.Ltmp6, $4  }
0x109: {  	v4 =	vshra.s32 v12, $0x10;
	[tilespmem:v7+s17+$0x0] =	vst.idx.add.s32.msk $0xffff, v1  }
0x10a: {  	[tilespmem:v8+s17+$0x0] =	vst.idx.add.s32.msk $0xffff, v1  }
0x10b: {  	[tilespmem:v9+s17+$0x0] =	vst.idx.add.s32.msk $0xffff, v1  }
0x10c: {  	s24 =	sadd.s32 $0x80, s24;
	[tilespmem:v10+s17+$0x0] =	vst.idx.add.s32.msk $0xffff, v1  }
0x10d: {  	_ =	sdelay $0x3  }
0x10e: {  	[tilespmem:v4+s17+$0x0] =	vst.idx.add.s32.msk $0xffff, v1  }
0x10f: {  	[tilespmem:v3+s17+$0x0] =	vst.idx.add.s32.msk $0xffff, v1  }
0x110: {  	[tilespmem:s15], [sflag:$0x1] =	stream.linear.gather [hbm4b:s10+s2], $0x4000, $0x38;
	[tilespmem:$0x10080] =	vst v63  }
0x111: {  	_ =	swait.ge [sflag:s16], $0x4000  }
0x112: {  	[sflag:s16] =	ssyncset.done $0x0  }
0x113: {  	s23 =	simm.s32 $0x40;
	[sflag:s16] =	ssyncadd.s32 $0xFFFFC000  }
0x114: {  	v3 =	vld [tilespmem:s23+$0x30]  }
0x115: {  	v4 =	vld [tilespmem:s23+$0xFFFFFFD0]  }
0x116: {  	v5 =	vld [tilespmem:s23+$0xFFFFFFE0]  }
0x117: {  	v6 =	vld [tilespmem:s23+$0xFFFFFFF0]  }
0x118: {  	v7 =	vld [tilespmem:s23+$0x0]  }
0x119: {  	v8 =	vld [tilespmem:s23+$0x10];
	v3 =	vshra.s32 v3, $0x10  }
0x11a: {  	v4 =	vshra.s32 v4, $0x10  }
0x11b: {  	v5 =	vshra.s32 v5, $0x10  }
0x11c: {  	v9 =	vld [tilespmem:s23+$0x20];
	v6 =	vshra.s32 v6, $0x10  }
0x11d: {  	v10 =	vld [tilespmem:s23+$0xFFFFFFC0];
	v7 =	vshra.s32 v7, $0x10  }
0x11e: {  	v8 =	vshra.s32 v8, $0x10;
	[tilespmem:v3+s17+$0x0] =	vst.idx.add.s32.msk $0xffff, v1  }
0x11f: {  	[tilespmem:v4+s17+$0x0] =	vst.idx.add.s32.msk $0xffff, v1  }
0x120: {  	[tilespmem:v5+s17+$0x0] =	vst.idx.add.s32.msk $0xffff, v1  }
0x121: {  	[tilespmem:v6+s17+$0x0] =	vst.idx.add.s32.msk $0xffff, v1  }
0x122: {  	[tilespmem:v7+s17+$0x0] =	vst.idx.add.s32.msk $0xffff, v1  }
0x123: {  	s24 =	simm.s32 $0xC0;
	s23 =	simm.s32 $0x0;
	v3 =	vshra.s32 v9, $0x10;
	v4 =	vshra.s32 v10, $0x10;
	[tilespmem:v8+s17+$0x0] =	vst.idx.add.s32.msk $0xffff, v1  }
.LBB2_16:
0x124: {  	v5 =	vld [tilespmem:s24+$0x30];
	s23 =	sadd.s32 $0x8, s23  }
0x125: {  	v6 =	vld [tilespmem:s24+$0xFFFFFFD0];
	p0 =	slt.u32 s23, $0x3F8  }
0x126: {  	v7 =	vld [tilespmem:s24+$0xFFFFFFE0]  }
0x127: {  	v8 =	vld [tilespmem:s24+$0xFFFFFFF0]  }
0x128: {  	v9 =	vld [tilespmem:s24+$0x0]  }
0x129: {  	v10 =	vld [tilespmem:s24+$0x10];
	v5 =	vshra.s32 v5, $0x10  }
0x12a: {  	v6 =	vshra.s32 v6, $0x10;
	v11 =	vld [tilespmem:s24+$0x20]  }
0x12b: {  	v12 =	vld [tilespmem:s24+$0xFFFFFFC0];
	v7 =	vshra.s32 v7, $0x10  }
0x12c: {  	v8 =	vshra.s32 v8, $0x10;
	[tilespmem:v4+s17+$0x0] =	vst.idx.add.s32.msk $0xffff, v1  }
0x12d: {  	v9 =	vshra.s32 v9, $0x10;
	[tilespmem:v3+s17+$0x0] =	vst.idx.add.s32.msk $0xffff, v1  }
0x12e: {  	v10 =	vshra.s32 v10, $0x10;
	[tilespmem:v5+s17+$0x0] =	vst.idx.add.s32.msk $0xffff, v1  }
.Ltmp7:
0x12f: {  	[tilespmem:v6+s17+$0x0] =	vst.idx.add.s32.msk $0xffff, v1;
	v3 =	vshra.s32 v11, $0x10;
	(pc) =	sbr.rel @p0 .LBB2_16-.Ltmp7, $4  }
0x130: {  	v4 =	vshra.s32 v12, $0x10;
	[tilespmem:v7+s17+$0x0] =	vst.idx.add.s32.msk $0xffff, v1  }
0x131: {  	[tilespmem:v8+s17+$0x0] =	vst.idx.add.s32.msk $0xffff, v1  }
0x132: {  	[tilespmem:v9+s17+$0x0] =	vst.idx.add.s32.msk $0xffff, v1  }
0x133: {  	s24 =	sadd.s32 $0x80, s24;
	[tilespmem:v10+s17+$0x0] =	vst.idx.add.s32.msk $0xffff, v1  }
0x134: {  	_ =	sdelay $0x3  }
0x135: {  	[tilespmem:v4+s17+$0x0] =	vst.idx.add.s32.msk $0xffff, v1  }
0x136: {  	[tilespmem:v3+s17+$0x0] =	vst.idx.add.s32.msk $0xffff, v1  }
0x137: {  	_ =	swait.ge [sflag:s16], $0x4000  }
0x138: {  	[sflag:s16] =	ssyncset.done $0x0  }
0x139: {  	s23 =	simm.s32 $0x4040;
	[sflag:s16] =	ssyncadd.s32 $0xFFFFC000  }
0x13a: {  	v3 =	vld [tilespmem:s23+$0x30]  }
0x13b: {  	v4 =	vld [tilespmem:s23+$0xFFFFFFD0]  }
0x13c: {  	v5 =	vld [tilespmem:s23+$0xFFFFFFE0]  }
0x13d: {  	v6 =	vld [tilespmem:s23+$0xFFFFFFF0]  }
0x13e: {  	v7 =	vld [tilespmem:s23+$0x0]  }
0x13f: {  	v8 =	vld [tilespmem:s23+$0x10];
	v3 =	vshra.s32 v3, $0x10  }
0x140: {  	v4 =	vshra.s32 v4, $0x10  }
0x141: {  	v5 =	vshra.s32 v5, $0x10  }
0x142: {  	v9 =	vld [tilespmem:s23+$0x20];
	v6 =	vshra.s32 v6, $0x10  }
0x143: {  	v10 =	vld [tilespmem:s23+$0xFFFFFFC0];
	v7 =	vshra.s32 v7, $0x10  }
0x144: {  	v8 =	vshra.s32 v8, $0x10;
	[tilespmem:v3+s17+$0x0] =	vst.idx.add.s32.msk $0xffff, v1  }
0x145: {  	[tilespmem:v4+s17+$0x0] =	vst.idx.add.s32.msk $0xffff, v1  }
0x146: {  	[tilespmem:v5+s17+$0x0] =	vst.idx.add.s32.msk $0xffff, v1  }
0x147: {  	[tilespmem:v6+s17+$0x0] =	vst.idx.add.s32.msk $0xffff, v1  }
0x148: {  	[tilespmem:v7+s17+$0x0] =	vst.idx.add.s32.msk $0xffff, v1  }
0x149: {  	s24 =	simm.s32 $0x40C0;
	s23 =	simm.s32 $0x0;
	v3 =	vshra.s32 v9, $0x10;
	v4 =	vshra.s32 v10, $0x10;
	[tilespmem:v8+s17+$0x0] =	vst.idx.add.s32.msk $0xffff, v1  }
.LBB2_18:
0x14a: {  	v5 =	vld [tilespmem:s24+$0x30];
	s23 =	sadd.s32 $0x8, s23  }
0x14b: {  	v6 =	vld [tilespmem:s24+$0xFFFFFFD0];
	p0 =	slt.u32 s23, $0x3F8  }
0x14c: {  	v7 =	vld [tilespmem:s24+$0xFFFFFFE0]  }
0x14d: {  	v8 =	vld [tilespmem:s24+$0xFFFFFFF0]  }
0x14e: {  	v9 =	vld [tilespmem:s24+$0x0]  }
0x14f: {  	v10 =	vld [tilespmem:s24+$0x10];
	v5 =	vshra.s32 v5, $0x10  }
0x150: {  	v6 =	vshra.s32 v6, $0x10;
	v11 =	vld [tilespmem:s24+$0x20]  }
0x151: {  	v12 =	vld [tilespmem:s24+$0xFFFFFFC0];
	v7 =	vshra.s32 v7, $0x10  }
0x152: {  	v8 =	vshra.s32 v8, $0x10;
	[tilespmem:v4+s17+$0x0] =	vst.idx.add.s32.msk $0xffff, v1  }
0x153: {  	v9 =	vshra.s32 v9, $0x10;
	[tilespmem:v3+s17+$0x0] =	vst.idx.add.s32.msk $0xffff, v1  }
0x154: {  	v10 =	vshra.s32 v10, $0x10;
	[tilespmem:v5+s17+$0x0] =	vst.idx.add.s32.msk $0xffff, v1  }
.Ltmp8:
0x155: {  	[tilespmem:v6+s17+$0x0] =	vst.idx.add.s32.msk $0xffff, v1;
	v3 =	vshra.s32 v11, $0x10;
	(pc) =	sbr.rel @p0 .LBB2_18-.Ltmp8, $4  }
0x156: {  	v4 =	vshra.s32 v12, $0x10;
	[tilespmem:v7+s17+$0x0] =	vst.idx.add.s32.msk $0xffff, v1  }
0x157: {  	[tilespmem:v8+s17+$0x0] =	vst.idx.add.s32.msk $0xffff, v1  }
0x158: {  	[tilespmem:v9+s17+$0x0] =	vst.idx.add.s32.msk $0xffff, v1  }
0x159: {  	s24 =	sadd.s32 $0x80, s24;
	[tilespmem:v10+s17+$0x0] =	vst.idx.add.s32.msk $0xffff, v1  }
0x15a: {  	_ =	sdelay $0x3  }
0x15b: {  	[tilespmem:v4+s17+$0x0] =	vst.idx.add.s32.msk $0xffff, v1  }
0x15c: {  	[tilespmem:v3+s17+$0x0] =	vst.idx.add.s32.msk $0xffff, v1  }
0x15d: {  	[spmem:s11] =	stream.strided.scatter [tilespmem:s17], [sflag:$0x2], $0x4000, s19, s18, $0x38;
	[tilespmem:$0x10080] =	vst v63  }
0x15e: {  	_ =	swait.ge [sflag:s20], $0x4000  }
0x15f: {  	[sflag:s20] =	ssyncset.done $0x0  }
0x160: {  	[sflag:s20] =	ssyncadd.s32 $0xFFFFC000  }
0x161: {  	[bflag:$0x0] =	sbarrier.arrive $0xFFFF  }
0x162: {  	[tilespmem:s2], [sflag:$0x2] =	stream.strided.gather [spmem:s12], $0x4000, s19, s18, $0x38;
	[tilespmem:$0x10080] =	vst v63  }
0x163: {  	_ =	swait.ge [sflag:s20], $0x4000  }
0x164: {  	[sflag:s20] =	ssyncset.done $0x0  }
0x165: {  	s25 =	simm.s32 $0x8040;
	[sflag:s20] =	ssyncadd.s32 $0xFFFFC000  }
0x166: {  	s26 =	simm.s32 $0x40;
	v4 =	vld [tilespmem:s25+$0x30]  }
0x167: {  	v5 =	vld [tilespmem:s26+$0x30]  }
0x168: {  	v3 =	vld [tilespmem:s26+$0xFFFFFFC0]  }
0x169: {  	v6 =	vld [tilespmem:s25+$0xFFFFFFD0]  }
0x16a: {  	v7 =	vld [tilespmem:s26+$0xFFFFFFD0]  }
0x16b: {  	v8 =	vld [tilespmem:s25+$0xFFFFFFE0]  }
0x16c: {  	v9 =	vld [tilespmem:s26+$0xFFFFFFE0]  }
0x16d: {  	v10 =	vld [tilespmem:s25+$0xFFFFFFF0]  }
0x16e: {  	v11 =	vld [tilespmem:s26+$0xFFFFFFF0]  }
0x16f: {  	v12 =	vld [tilespmem:s25+$0x0]  }
0x170: {  	v13 =	vld [tilespmem:s26+$0x0]  }
0x171: {  	v5 =	vadd.s32 v4, v5;
	v4 =	vld [tilespmem:s25+$0x10]  }
0x172: {  	[tilespmem:s25+$0x30] =	vst v5;
	v5 =	vadd.s32 v6, v7;
	v6 =	vld [tilespmem:s26+$0x10]  }
0x173: {  	v7 =	vadd.s32 v8, v9;
	[tilespmem:s25+$0xFFFFFFD0] =	vst v5;
	v5 =	vld [tilespmem:s25+$0x20]  }
0x174: {  	s28 =	simm.s32 $0x0;
	v8 =	vadd.s32 v10, v11;
	[tilespmem:s25+$0xFFFFFFE0] =	vst v7;
	v7 =	vld [tilespmem:s26+$0x20]  }
0x175: {  	s23 =	simm.s32 $0x3FEF;
	s24 =	simm.s32 $0xBFF0;
	s30 =	simm.s32 $0x80C0;
	v9 =	vadd.s32 v12, v13;
	[tilespmem:s25+$0xFFFFFFF0] =	vst v8;
	v8 =	vld [tilespmem:s25+$0xFFFFFFC0]  }
.LBB2_20:
0x176: {  	v10 =	vld [tilespmem:s30+$0x30];
	[tilespmem:s25+$0x0] =	vst v9;
	s26 =	sadd.s32 $0x80, s26  }
0x177: {  	s28 =	sadd.s32 $0x8, s28;
	v9 =	vld [tilespmem:s26+$0x30];
	v4 =	vadd.s32 v4, v6  }
0x178: {  	p0 =	slt.u32 s28, $0x3F8;
	v6 =	vld [tilespmem:s26+$0xFFFFFFC0];
	[tilespmem:s25+$0x10] =	vst v4  }
0x179: {  	v4 =	vld [tilespmem:s30+$0xFFFFFFD0];
	v5 =	vadd.s32 v5, v7  }
0x17a: {  	v7 =	vld [tilespmem:s26+$0xFFFFFFD0];
	v3 =	vadd.s32 v8, v3;
	[tilespmem:s25+$0x20] =	vst v5  }
0x17b: {  	v5 =	vld [tilespmem:s30+$0xFFFFFFE0];
	[tilespmem:s25+$0xFFFFFFC0] =	vst v3;
	s25 =	smov.u32 s30  }
0x17c: {  	v8 =	vld [tilespmem:s26+$0xFFFFFFE0];
	v10 =	vadd.s32 v10, v9  }
0x17d: {  	s29 =	simm.s32 $0x0;
	v9 =	vld [tilespmem:s30+$0xFFFFFFF0];
	[tilespmem:s30+$0x30] =	vst v10;
	v3 =	vmov v6  }
0x17e: {  	v10 =	vld [tilespmem:s26+$0xFFFFFFF0]  }
0x17f: {  	v4 =	vadd.s32 v4, v7;
	v11 =	vld [tilespmem:s30+$0x0]  }
0x180: {  	[tilespmem:s30+$0xFFFFFFD0] =	vst v4;
	v12 =	vld [tilespmem:s26+$0x0]  }
.Ltmp9:
0x181: {  	v5 =	vadd.s32 v5, v8;
	v4 =	vld [tilespmem:s30+$0x10];
	(pc) =	sbr.rel @p0 .LBB2_20-.Ltmp9, $4  }
0x182: {  	[tilespmem:s30+$0xFFFFFFE0] =	vst v5;
	v6 =	vld [tilespmem:s26+$0x10]  }
0x183: {  	v7 =	vadd.s32 v9, v10;
	v5 =	vld [tilespmem:s30+$0x20]  }
0x184: {  	[tilespmem:s30+$0xFFFFFFF0] =	vst v7;
	v7 =	vld [tilespmem:s26+$0x20]  }
0x185: {  	s30 =	sadd.s32 $0x80, s30;
	v8 =	vld [tilespmem:s25+$0xFFFFFFC0];
	v9 =	vadd.s32 v11, v12  }
0x186: {  	_ =	sdelay $0x1  }
0x187: {  	[tilespmem:s25+$0x0] =	vst v9;
	v4 =	vadd.s32 v4, v6  }
0x188: {  	[tilespmem:s25+$0x10] =	vst v4;
	v63 =	vadd.s32 v5, v7  }
0x189: {  	v3 =	vadd.s32 v8, v3;
	[tilespmem:s25+$0x20] =	vst v63  }
0x18a: {  	s26 =	simm.s32 $0x0;
	[tilespmem:s25+$0xFFFFFFC0] =	vst v3;
	s25 =	simm.s32 $0x0  }
.LBB2_22:
0x18b: {  	v3 =	vld [tilespmem:s24+$0x0];
	_ =	sdelay $0x4  }
0x18c: {  	v4 =	vperm.xlane v3, v2;
	_ =	sdelay $0x1  }
0x18d: {  	(xrf0) =	vadd.scan.msk.s32 $0xffff, v4;
	_ =	sdelay $0x5  }
0x18e: {  	v4, _, _ =	vpop (xrf0)  }
0x18f: {  	v4 =	vperm.xlane v4, v2;
	_ =	sdelay $0x1  }
0x190: {  	v4 =	vadd.s32 s26, v4  }
0x191: {  	vm0 =	vgt.s32 v4, $0xFFF  }
0x192: {  	v4 =	vsel vm0, $0x1, v0  }
0x193: {  	(xrf0) =	vadd.scan.msk.s32 $0xffff, v4  }
0x194: {  	(xrf0) =	vadd.scan.msk.s32 $0xffff, v3;
	_ =	sdelay $0x4  }
0x195: {  	v3, _, _ =	vpop (xrf0)  }
0x196: {  	(v2sf) =	vpush v3, $0xF;
	v3, _, _ =	vpop (xrf0)  }
0x197: {  	(v2sf) =	vpush v3, $0xF;
	_ =	sdelay $0xd  }
0x198: {  	s28 =	spop (v2sf)  }
0x199: {  	s30 =	spop (v2sf)  }
0x19a: {  	p0 =	sgt.u32 s29, $0x3FE;
	s26 =	sadd.s32 s26, s30  }
0x19b: {  	p1 =	slt.s32 @!p0 s26, $0x1000  }
0x19c: {  	p0 =	por p0, !p1  }
.Ltmp10:
0x19d: {  	_ = 	snop;
	(pc) =	sbr.rel @!p0 .LBB2_22-.Ltmp10, $3  }
0x19e: {  	_ =	sdelay $0x1  }
0x19f: {  	s29 =	sadd.s32 $0x1, s29;
	s28 =	sadd.s32 s23, s28;
	p1 =	sgt.s32 s26, $0xFFF  }
0x1a0: {  	s24 =	sadd.s32 $0xFFFFFFF0, s24;
	s23 =	sadd.s32 $0xFFFFFFF0, s23;
	s25 =	smov.u32 @p1 s28  }
0x1a1: {  	s23 =	sshll.u32 s25, $0x10  }
0x1a2: {  	v3 =	vmov s23  }
0x1a3: {  	s22 =	sadd.s32 $0x1, s22;
	v3 =	vbroadcast v3, $0x0  }
0x1a4: {  	p0 =	sne.s32 s22, s14  }
.Ltmp11:
0x1a5: {  	[tilespmem:$0xC000] =	vst v3;
	(pc) =	sbr.rel @p0 .LBB2_1-.Ltmp11, $4  }
0x1a6: {  	[hbm4b:s13+s2] =	stream.linear.scatter [tilespmem:s21], [sflag:$0x2], $0x80, $0x38;
	[tilespmem:$0x10080] =	vst v63  }
0x1a7: {  	_ =	swait.ge [sflag:s20], $0x80  }
0x1a8: {  	[sflag:s20] =	ssyncset.done $0x0  }
0x1a9: {  	[sflag:s20] =	ssyncadd.s32 $0xFFFFFF80  }
0x1aa: {  	_ =	sfence.sel $0x180000  }
0x1ab: {  	[bflag:$0x0] =	sbarrier.arrive $0xFFFF  }
0x1ac: {  	p0 =	sne.s32 s1, $0x0;
	_ =	strace $0x90000047  }
0x1ad: {  	s0 =	sadd.s32 @!p0 $0x100000, s0;
	[bflag:$0x2] =	sbarrier.arrive $0xFFFF  }
0x1ae: {  	[sflag:s0] =	ssyncadd.tile.s32 @!p0 $0x1;
	_ =	shalt  }
.Lfunc_end2:
_tile_overlayer_lowered:
.L_overlay_start_2:
0x1af: {  	(tag) =	ssettag $0x2  }
0x1b0: {  	s0 =	rddreg [dreg:$0x0];
	s2 =	stileid.u32  }
0x1b1: {  	s1 =	rddreg [dreg:$0x1];
	p0 =	sne.s32 s2, $0x0  }
0x1b2: {  	s3 =	rddreg [dreg:$0x2];
	[bflag:$0x3] =	sbarrier.arrive $0xFFFF;
	s2 =	simm.s32 @!p0 $0x1C02  }
0x1b3: {  	[timem:s3], [sflag:s2] =	dma.local @!p0 [hbm:s0], s1  }
0x1b4: {  	s0 =	simm.s32 @!p0 $0x2  }
0x1b5: {  	_ =	swait.ge @!p0 [sflag:s0], s1  }
0x1b6: {  	s1 =	ssub.s32 @!p0 $0x0, s1;
	[sflag:s0] =	ssyncset.done @!p0 $0x0  }
0x1b7: {  	[sflag:s0] =	ssyncadd.s32 @!p0 s1  }
0x1b8: {  	[bflag:$0x3] =	sbarrier.arrive $0xFFFF  }
0x1b9: {  	_ =	shalt  }

</sc_bundles>
